<compile_context>
chip_gen: v7x
topology: tpu7x:2x2x1
jax: 0.10.2.dev20260603
libtpu: 0.0.44.dev20260713+nightly
codegen_flags: <defaults>
</compile_context>

<pallas_src>
import jax
import jax.numpy as jnp
from jax import lax
from jax.experimental import pallas as pl
from jax.experimental.pallas import tpu as pltpu
from jax.experimental.pallas import tpu_sc as plsc

_L = 16
_NC = 2
_NS = 16
_NW = _NC * _NS
_R = 8
_D = 1024
_CHUNK = _R * _D
_NBUF = 4


def _sc_add(x_hbm, pe_hbm, out_hbm,
            xb0, xb1, xb2, xb3, pb0, pb1, pb2, pb3,
            sx0, sx1, sx2, sx3, sp0, sp1, sp2, sp3,
            so0, so1, so2, so3):
    wid = lax.axis_index("s") * _NC + lax.axis_index("c")
    n_x = x_hbm.shape[0]
    n_pe = pe_hbm.shape[0]
    per_w = n_x // _NW
    n_chunks = per_w // _CHUNK
    n_steps = n_chunks // _NBUF
    w_base = wid * per_w
    pe_base = lax.rem(w_base, n_pe)
    n_vregs = _CHUNK // _L

    xb = (xb0, xb1, xb2, xb3)
    pb = (pb0, pb1, pb2, pb3)
    sx = (sx0, sx1, sx2, sx3)
    sp = (sp0, sp1, sp2, sp3)
    so = (so0, so1, so2, so3)

    def in_copies(c, p):
        base = w_base + c * _CHUNK
        pbase = pe_base + c * _CHUNK
        cx = pltpu.make_async_copy(x_hbm.at[pl.ds(base, _CHUNK)], xb[p], sx[p])
        cp = pltpu.make_async_copy(pe_hbm.at[pl.ds(pbase, _CHUNK)], pb[p], sp[p])
        return cx, cp

    def out_copy(c, p):
        base = w_base + c * _CHUNK
        return pltpu.make_async_copy(xb[p], out_hbm.at[pl.ds(base, _CHUNK)], so[p])

    for p in range(_NBUF - 1):
        cx, cp = in_copies(p, p)
        cx.start()
        cp.start()

    def step(i, carry):
        for p in range(_NBUF):
            c = i * _NBUF + p

            pre = (p - 1) % _NBUF

            @pl.when(c + _NBUF - 1 < n_chunks)
            def _():
                @pl.when(c >= 1)
                def _():
                    out_copy(c - 1, pre).wait()
                ncx, ncp = in_copies(c + _NBUF - 1, pre)
                ncx.start()
                ncp.start()

            cxw, cpw = in_copies(c, p)
            cxw.wait()
            cpw.wait()

            def body(j, _):
                plsc.addupdate(xb[p].at[pl.ds(j * _L, _L)], pb[p][pl.ds(j * _L, _L)])
                return _

            lax.fori_loop(0, n_vregs, body, 0, unroll=8)
            out_copy(c, p).start()
        return carry

    lax.fori_loop(0, n_steps, step, 0)
    for p in range(_NBUF):
        out_copy(n_chunks - _NBUF + p, p).wait()


def kernel(x, pos_embed):
    batch, seq_len, d_model = x.shape
    xf = x.reshape(-1)
    pef = pos_embed[:seq_len].reshape(-1)
    mesh = plsc.VectorSubcoreMesh(core_axis_name="c", subcore_axis_name="s")
    out = pl.kernel(
        _sc_add,
        mesh=mesh,
        out_type=jax.ShapeDtypeStruct(xf.shape, xf.dtype),
        scratch_types=(
            [pltpu.VMEM((_CHUNK,), jnp.float32) for _ in range(2 * _NBUF)]
            + [pltpu.SemaphoreType.DMA for _ in range(3 * _NBUF)]
        ),
    )(xf, pef)
    return out.reshape(x.shape)

# --- scband reference (transcript-rebuilt; emitter-appended) ---
"""Pipeline reference for scband-learned-positional-encoding-43645457662331 (READ-ONLY COPY).

The authoritative reference and input builder live on the scoring server;
editing this copy changes nothing except your own understanding.
"""

import jax, jax.numpy as jnp
import numpy as np

D_MODEL = 1024
MAX_LEN = 8192
BATCH = 4
SEQ_LEN = 8192

def setup_inputs(seed: int = 0) -> dict:
    key = jax.random.key(seed)
    kx, kp = jax.random.split(key)
    x = jax.random.normal(kx, (BATCH, SEQ_LEN, D_MODEL), dtype=jnp.float32)
    # learned positional embedding table (nn.Embedding weight), init ~ N(0,1) like torch default
    pos_embed = jax.random.normal(kp, (MAX_LEN, D_MODEL), dtype=jnp.float32)
    return {"x": x, "pos_embed": pos_embed}

def reference(x, pos_embed):
    seq_len = x.shape[1]
    positions = jnp.arange(seq_len)
    pe = jnp.take(pos_embed, positions, axis=0)  # gather -> [seq_len, d_model]
    return x + pe[None, :, :]

if __name__ == "__main__":
    import jax
    _d = setup_inputs()
    print(jax.jit(kernel)(*tuple(_d.values())))

</pallas_src>

<mosaic_0001>
#map = affine_map<(d0, d1) -> (0)>
module attributes {stable_mosaic.version = 14 : i64} {
  func.func @_sc_add(%arg0: i32, %arg1: i32, %arg2: memref<33554432xf32, #tpu.memory_space<hbm>>, %arg3: memref<8388608xf32, #tpu.memory_space<hbm>>, %arg4: memref<33554432xf32, #tpu.memory_space<hbm>>, %arg5: memref<8192xf32, #tpu.memory_space<vmem>>, %arg6: memref<8192xf32, #tpu.memory_space<vmem>>, %arg7: memref<8192xf32, #tpu.memory_space<vmem>>, %arg8: memref<8192xf32, #tpu.memory_space<vmem>>, %arg9: memref<8192xf32, #tpu.memory_space<vmem>>, %arg10: memref<8192xf32, #tpu.memory_space<vmem>>, %arg11: memref<8192xf32, #tpu.memory_space<vmem>>, %arg12: memref<8192xf32, #tpu.memory_space<vmem>>, %arg13: memref<!tpu.dma_semaphore, #tpu.memory_space<semaphore_mem>>, %arg14: memref<!tpu.dma_semaphore, #tpu.memory_space<semaphore_mem>>, %arg15: memref<!tpu.dma_semaphore, #tpu.memory_space<semaphore_mem>>, %arg16: memref<!tpu.dma_semaphore, #tpu.memory_space<semaphore_mem>>, %arg17: memref<!tpu.dma_semaphore, #tpu.memory_space<semaphore_mem>>, %arg18: memref<!tpu.dma_semaphore, #tpu.memory_space<semaphore_mem>>, %arg19: memref<!tpu.dma_semaphore, #tpu.memory_space<semaphore_mem>>, %arg20: memref<!tpu.dma_semaphore, #tpu.memory_space<semaphore_mem>>, %arg21: memref<!tpu.dma_semaphore, #tpu.memory_space<semaphore_mem>>, %arg22: memref<!tpu.dma_semaphore, #tpu.memory_space<semaphore_mem>>, %arg23: memref<!tpu.dma_semaphore, #tpu.memory_space<semaphore_mem>>, %arg24: memref<!tpu.dma_semaphore, #tpu.memory_space<semaphore_mem>>) attributes {dimension_semantics = [#tpu.dimension_semantics<core_parallel>, #tpu.dimension_semantics<subcore_parallel>], iteration_bounds = array<i64: 2, 16>, scalar_prefetch = 0 : i64, scratch_operands = 20 : i64, tpu.core_type = #tpu.core_type<sc_vector_subcore>, window_params = [{transform_indices = #map}, {transform_indices = #map}, {transform_indices = #map}]} {
    %mul3A = arith.constant 2 : i32
    %mul3A_0 = arith.muli %arg1, %mul3A : i32
    %add3A = arith.addi %mul3A_0, %arg0 : i32
    %mul3A_1 = arith.constant 1048576 : i32
    %mul3A_2 = arith.muli %add3A, %mul3A_1 : i32
    %rem3A = arith.constant 8388608 : i32
    %rem3A_3 = arith.remsi %mul3A_2, %rem3A : i32
    %add3A_4 = arith.constant 0 : i32
    %add3A_5 = arith.addi %mul3A_2, %add3A_4 : i32
    %add3A_6 = arith.constant 0 : i32
    %add3A_7 = arith.addi %rem3A_3, %add3A_6 : i32
    %dma_start3A = tpu.memref_slice %arg2[%add3A_5] : memref<33554432xf32, #tpu.memory_space<hbm>> -> memref<8192xf32, #tpu.memory_space<hbm>>
    %dma_start3A_8 = tpu.memref_slice %arg2[%add3A_5] : memref<33554432xf32, #tpu.memory_space<hbm>> -> memref<8192xf32, #tpu.memory_space<hbm>>
    tpu.enqueue_dma source(%dma_start3A_8 : memref<8192xf32, #tpu.memory_space<hbm>>) target(%arg5 : memref<8192xf32, #tpu.memory_space<vmem>>) target_semaphore(%arg13 : memref<!tpu.dma_semaphore, #tpu.memory_space<semaphore_mem>>)
    %dma_start3A_9 = tpu.memref_slice %arg3[%add3A_7] : memref<8388608xf32, #tpu.memory_space<hbm>> -> memref<8192xf32, #tpu.memory_space<hbm>>
    %dma_start3A_10 = tpu.memref_slice %arg3[%add3A_7] : memref<8388608xf32, #tpu.memory_space<hbm>> -> memref<8192xf32, #tpu.memory_space<hbm>>
    tpu.enqueue_dma source(%dma_start3A_10 : memref<8192xf32, #tpu.memory_space<hbm>>) target(%arg9 : memref<8192xf32, #tpu.memory_space<vmem>>) target_semaphore(%arg17 : memref<!tpu.dma_semaphore, #tpu.memory_space<semaphore_mem>>)
    %add3A_11 = arith.constant 8192 : i32
    %add3A_12 = arith.addi %mul3A_2, %add3A_11 : i32
    %add3A_13 = arith.constant 8192 : i32
    %add3A_14 = arith.addi %rem3A_3, %add3A_13 : i32
    %dma_start3A_15 = tpu.memref_slice %arg2[%add3A_12] : memref<33554432xf32, #tpu.memory_space<hbm>> -> memref<8192xf32, #tpu.memory_space<hbm>>
    %dma_start3A_16 = tpu.memref_slice %arg2[%add3A_12] : memref<33554432xf32, #tpu.memory_space<hbm>> -> memref<8192xf32, #tpu.memory_space<hbm>>
    tpu.enqueue_dma source(%dma_start3A_16 : memref<8192xf32, #tpu.memory_space<hbm>>) target(%arg6 : memref<8192xf32, #tpu.memory_space<vmem>>) target_semaphore(%arg14 : memref<!tpu.dma_semaphore, #tpu.memory_space<semaphore_mem>>)
    %dma_start3A_17 = tpu.memref_slice %arg3[%add3A_14] : memref<8388608xf32, #tpu.memory_space<hbm>> -> memref<8192xf32, #tpu.memory_space<hbm>>
    %dma_start3A_18 = tpu.memref_slice %arg3[%add3A_14] : memref<8388608xf32, #tpu.memory_space<hbm>> -> memref<8192xf32, #tpu.memory_space<hbm>>
    tpu.enqueue_dma source(%dma_start3A_18 : memref<8192xf32, #tpu.memory_space<hbm>>) target(%arg10 : memref<8192xf32, #tpu.memory_space<vmem>>) target_semaphore(%arg18 : memref<!tpu.dma_semaphore, #tpu.memory_space<semaphore_mem>>)
    %add3A_19 = arith.constant 16384 : i32
    %add3A_20 = arith.addi %mul3A_2, %add3A_19 : i32
    %add3A_21 = arith.constant 16384 : i32
    %add3A_22 = arith.addi %rem3A_3, %add3A_21 : i32
    %dma_start3A_23 = tpu.memref_slice %arg2[%add3A_20] : memref<33554432xf32, #tpu.memory_space<hbm>> -> memref<8192xf32, #tpu.memory_space<hbm>>
    %dma_start3A_24 = tpu.memref_slice %arg2[%add3A_20] : memref<33554432xf32, #tpu.memory_space<hbm>> -> memref<8192xf32, #tpu.memory_space<hbm>>
    tpu.enqueue_dma source(%dma_start3A_24 : memref<8192xf32, #tpu.memory_space<hbm>>) target(%arg7 : memref<8192xf32, #tpu.memory_space<vmem>>) target_semaphore(%arg15 : memref<!tpu.dma_semaphore, #tpu.memory_space<semaphore_mem>>)
    %dma_start3A_25 = tpu.memref_slice %arg3[%add3A_22] : memref<8388608xf32, #tpu.memory_space<hbm>> -> memref<8192xf32, #tpu.memory_space<hbm>>
    %dma_start3A_26 = tpu.memref_slice %arg3[%add3A_22] : memref<8388608xf32, #tpu.memory_space<hbm>> -> memref<8192xf32, #tpu.memory_space<hbm>>
    tpu.enqueue_dma source(%dma_start3A_26 : memref<8192xf32, #tpu.memory_space<hbm>>) target(%arg11 : memref<8192xf32, #tpu.memory_space<vmem>>) target_semaphore(%arg19 : memref<!tpu.dma_semaphore, #tpu.memory_space<semaphore_mem>>)
    %scan3A = arith.constant 0 : i32
    %scan3A_27 = arith.constant 0 : i32
    %scan3A_28 = arith.constant 32 : i32
    %scan3A_29 = arith.addi %scan3A_27, %scan3A_28 : i32
    %scan3A_30 = arith.constant 1 : i32
    scf.for %scan3A_47 = %scan3A_27 to %scan3A_29 step %scan3A_30  : i32 {
      %mul3A_48 = arith.constant 4 : i32
      %mul3A_49 = arith.muli %scan3A_47, %mul3A_48 : i32
      %add3A_50 = arith.constant 0 : i32
      %add3A_51 = arith.addi %mul3A_49, %add3A_50 : i32
      %add3A_52 = arith.constant 4 : i32
      %add3A_53 = arith.addi %add3A_51, %add3A_52 : i32
      %sub3A = arith.constant 1 : i32
      %sub3A_54 = arith.subi %add3A_53, %sub3A : i32
      %lt3A = arith.constant 128 : i32
      %lt3A_55 = arith.cmpi slt, %sub3A_54, %lt3A : i32
      %convert_element_type3A = arith.extui %lt3A_55 : i1 to i32
      %cond3A = arith.constant 0 : i32
      %cond3A_56 = arith.cmpi ne, %convert_element_type3A, %cond3A : i32
      scf.if %cond3A_56 {
        %ge3A = arith.constant 1 : i32
        %ge3A_180 = arith.cmpi sge, %add3A_51, %ge3A : i32
        %convert_element_type3A_181 = arith.extui %ge3A_180 : i1 to i32
        %cond3A_182 = arith.constant 0 : i32
        %cond3A_183 = arith.cmpi ne, %convert_element_type3A_181, %cond3A_182 : i32
        scf.if %cond3A_183 {
          %sub3A_198 = arith.constant 1 : i32
          %sub3A_199 = arith.subi %add3A_51, %sub3A_198 : i32
          %mul3A_200 = arith.constant 8192 : i32
          %mul3A_201 = arith.muli %sub3A_199, %mul3A_200 : i32
          %add3A_202 = arith.addi %mul3A_2, %mul3A_201 : i32
          %dma_wait3A_203 = tpu.memref_slice %arg4[%add3A_202] : memref<33554432xf32, #tpu.memory_space<hbm>> -> memref<8192xf32, #tpu.memory_space<hbm>>
          %dma_wait3A_204 = tpu.memref_slice %arg4[%add3A_202] : memref<33554432xf32, #tpu.memory_space<hbm>> -> memref<8192xf32, #tpu.memory_space<hbm>>
          tpu.wait_dma2 semaphore(%arg24 : memref<!tpu.dma_semaphore, #tpu.memory_space<semaphore_mem>>) src(%arg8 : memref<8192xf32, #tpu.memory_space<vmem>>) dst(%dma_wait3A_204 : memref<8192xf32, #tpu.memory_space<hbm>>)
        } else {
        }
        %add3A_184 = arith.constant 4 : i32
        %add3A_185 = arith.addi %add3A_51, %add3A_184 : i32
        %sub3A_186 = arith.constant 1 : i32
        %sub3A_187 = arith.subi %add3A_185, %sub3A_186 : i32
        %mul3A_188 = arith.constant 8192 : i32
        %mul3A_189 = arith.muli %sub3A_187, %mul3A_188 : i32
        %add3A_190 = arith.addi %mul3A_2, %mul3A_189 : i32
        %mul3A_191 = arith.constant 8192 : i32
        %mul3A_192 = arith.muli %sub3A_187, %mul3A_191 : i32
        %add3A_193 = arith.addi %rem3A_3, %mul3A_192 : i32
        %dma_start3A_194 = tpu.memref_slice %arg2[%add3A_190] : memref<33554432xf32, #tpu.memory_space<hbm>> -> memref<8192xf32, #tpu.memory_space<hbm>>
        %dma_start3A_195 = tpu.memref_slice %arg2[%add3A_190] : memref<33554432xf32, #tpu.memory_space<hbm>> -> memref<8192xf32, #tpu.memory_space<hbm>>
        tpu.enqueue_dma source(%dma_start3A_195 : memref<8192xf32, #tpu.memory_space<hbm>>) target(%arg8 : memref<8192xf32, #tpu.memory_space<vmem>>) target_semaphore(%arg16 : memref<!tpu.dma_semaphore, #tpu.memory_space<semaphore_mem>>)
        %dma_start3A_196 = tpu.memref_slice %arg3[%add3A_193] : memref<8388608xf32, #tpu.memory_space<hbm>> -> memref<8192xf32, #tpu.memory_space<hbm>>
        %dma_start3A_197 = tpu.memref_slice %arg3[%add3A_193] : memref<8388608xf32, #tpu.memory_space<hbm>> -> memref<8192xf32, #tpu.memory_space<hbm>>
        tpu.enqueue_dma source(%dma_start3A_197 : memref<8192xf32, #tpu.memory_space<hbm>>) target(%arg12 : memref<8192xf32, #tpu.memory_space<vmem>>) target_semaphore(%arg20 : memref<!tpu.dma_semaphore, #tpu.memory_space<semaphore_mem>>)
      } else {
      }
      %mul3A_57 = arith.constant 8192 : i32
      %mul3A_58 = arith.muli %add3A_51, %mul3A_57 : i32
      %add3A_59 = arith.addi %mul3A_2, %mul3A_58 : i32
      %mul3A_60 = arith.constant 8192 : i32
      %mul3A_61 = arith.muli %add3A_51, %mul3A_60 : i32
      %add3A_62 = arith.addi %rem3A_3, %mul3A_61 : i32
      %dma_wait3A_63 = tpu.memref_slice %arg2[%add3A_59] : memref<33554432xf32, #tpu.memory_space<hbm>> -> memref<8192xf32, #tpu.memory_space<hbm>>
      %dma_wait3A_64 = tpu.memref_slice %arg2[%add3A_59] : memref<33554432xf32, #tpu.memory_space<hbm>> -> memref<8192xf32, #tpu.memory_space<hbm>>
      tpu.wait_dma2 semaphore(%arg13 : memref<!tpu.dma_semaphore, #tpu.memory_space<semaphore_mem>>) src(%dma_wait3A_64 : memref<8192xf32, #tpu.memory_space<hbm>>) dst(%arg5 : memref<8192xf32, #tpu.memory_space<vmem>>)
      %dma_wait3A_65 = tpu.memref_slice %arg3[%add3A_62] : memref<8388608xf32, #tpu.memory_space<hbm>> -> memref<8192xf32, #tpu.memory_space<hbm>>
      %dma_wait3A_66 = tpu.memref_slice %arg3[%add3A_62] : memref<8388608xf32, #tpu.memory_space<hbm>> -> memref<8192xf32, #tpu.memory_space<hbm>>
      tpu.wait_dma2 semaphore(%arg17 : memref<!tpu.dma_semaphore, #tpu.memory_space<semaphore_mem>>) src(%dma_wait3A_66 : memref<8192xf32, #tpu.memory_space<hbm>>) dst(%arg9 : memref<8192xf32, #tpu.memory_space<vmem>>)
      %scan3A_67 = arith.constant 0 : i32
      %scan3A_68 = arith.constant 0 : i32
      %scan3A_69 = arith.constant 512 : i32
      %scan3A_70 = arith.addi %scan3A_68, %scan3A_69 : i32
      %scan3A_71 = arith.constant 8 : i32
      scf.for %scan3A_180 = %scan3A_68 to %scan3A_70 step %scan3A_71  : i32 {
        %mul3A_181 = arith.constant 16 : i32
        %mul3A_182 = arith.muli %scan3A_180, %mul3A_181 : i32
        %mul3A_183 = arith.constant 16 : i32
        %mul3A_184 = arith.muli %scan3A_180, %mul3A_183 : i32
        %get3A = arith.index_cast %mul3A_184 : i32 to index
        %get3A_185 = tpu.vector_load %arg9[%get3A] {strides = array<i32>} : memref<8192xf32, #tpu.memory_space<vmem>>, vector<16xf32>,
        %get3A_186 = vector.shape_cast %get3A_185 : vector<16xf32> to vector<16xf32>
        %swap3A = arith.index_cast %mul3A_182 : i32 to index
        %swap3A_187 = tpu.vector_load %arg5[%swap3A] {strides = array<i32>} : memref<8192xf32, #tpu.memory_space<vmem>>, vector<16xf32>,
        %swap3A_188 = vector.shape_cast %swap3A_187 : vector<16xf32> to vector<16xf32>
        %swap3A_189 = vector.shape_cast %get3A_186 : vector<16xf32> to vector<16xf32>
        tpu.vector_store %arg5[%swap3A], %swap3A_189 {add = true, strides = array<i32>} : memref<8192xf32, #tpu.memory_space<vmem>>, vector<16xf32>,
        %scan3A_190 = arith.constant 1 : i32
        %scan3A_191 = arith.addi %scan3A_180, %scan3A_190 : i32
        %mul3A_192 = arith.constant 16 : i32
        %mul3A_193 = arith.muli %scan3A_191, %mul3A_192 : i32
        %mul3A_194 = arith.constant 16 : i32
        %mul3A_195 = arith.muli %scan3A_191, %mul3A_194 : i32
        %get3A_196 = arith.index_cast %mul3A_195 : i32 to index
        %get3A_197 = tpu.vector_load %arg9[%get3A_196] {strides = array<i32>} : memref<8192xf32, #tpu.memory_space<vmem>>, vector<16xf32>,
        %get3A_198 = vector.shape_cast %get3A_197 : vector<16xf32> to vector<16xf32>
        %swap3A_199 = arith.index_cast %mul3A_193 : i32 to index
        %swap3A_200 = tpu.vector_load %arg5[%swap3A_199] {strides = array<i32>} : memref<8192xf32, #tpu.memory_space<vmem>>, vector<16xf32>,
        %swap3A_201 = vector.shape_cast %swap3A_200 : vector<16xf32> to vector<16xf32>
        %swap3A_202 = vector.shape_cast %get3A_198 : vector<16xf32> to vector<16xf32>
        tpu.vector_store %arg5[%swap3A_199], %swap3A_202 {add = true, strides = array<i32>} : memref<8192xf32, #tpu.memory_space<vmem>>, vector<16xf32>,
        %scan3A_203 = arith.constant 2 : i32
        %scan3A_204 = arith.addi %scan3A_180, %scan3A_203 : i32
        %mul3A_205 = arith.constant 16 : i32
        %mul3A_206 = arith.muli %scan3A_204, %mul3A_205 : i32
        %mul3A_207 = arith.constant 16 : i32
        %mul3A_208 = arith.muli %scan3A_204, %mul3A_207 : i32
        %get3A_209 = arith.index_cast %mul3A_208 : i32 to index
        %get3A_210 = tpu.vector_load %arg9[%get3A_209] {strides = array<i32>} : memref<8192xf32, #tpu.memory_space<vmem>>, vector<16xf32>,
        %get3A_211 = vector.shape_cast %get3A_210 : vector<16xf32> to vector<16xf32>
        %swap3A_212 = arith.index_cast %mul3A_206 : i32 to index
        %swap3A_213 = tpu.vector_load %arg5[%swap3A_212] {strides = array<i32>} : memref<8192xf32, #tpu.memory_space<vmem>>, vector<16xf32>,
        %swap3A_214 = vector.shape_cast %swap3A_213 : vector<16xf32> to vector<16xf32>
        %swap3A_215 = vector.shape_cast %get3A_211 : vector<16xf32> to vector<16xf32>
        tpu.vector_store %arg5[%swap3A_212], %swap3A_215 {add = true, strides = array<i32>} : memref<8192xf32, #tpu.memory_space<vmem>>, vector<16xf32>,
        %scan3A_216 = arith.constant 3 : i32
        %scan3A_217 = arith.addi %scan3A_180, %scan3A_216 : i32
        %mul3A_218 = arith.constant 16 : i32
        %mul3A_219 = arith.muli %scan3A_217, %mul3A_218 : i32
        %mul3A_220 = arith.constant 16 : i32
        %mul3A_221 = arith.muli %scan3A_217, %mul3A_220 : i32
        %get3A_222 = arith.index_cast %mul3A_221 : i32 to index
        %get3A_223 = tpu.vector_load %arg9[%get3A_222] {strides = array<i32>} : memref<8192xf32, #tpu.memory_space<vmem>>, vector<16xf32>,
        %get3A_224 = vector.shape_cast %get3A_223 : vector<16xf32> to vector<16xf32>
        %swap3A_225 = arith.index_cast %mul3A_219 : i32 to index
        %swap3A_226 = tpu.vector_load %arg5[%swap3A_225] {strides = array<i32>} : memref<8192xf32, #tpu.memory_space<vmem>>, vector<16xf32>,
        %swap3A_227 = vector.shape_cast %swap3A_226 : vector<16xf32> to vector<16xf32>
        %swap3A_228 = vector.shape_cast %get3A_224 : vector<16xf32> to vector<16xf32>
        tpu.vector_store %arg5[%swap3A_225], %swap3A_228 {add = true, strides = array<i32>} : memref<8192xf32, #tpu.memory_space<vmem>>, vector<16xf32>,
        %scan3A_229 = arith.constant 4 : i32
        %scan3A_230 = arith.addi %scan3A_180, %scan3A_229 : i32
        %mul3A_231 = arith.constant 16 : i32
        %mul3A_232 = arith.muli %scan3A_230, %mul3A_231 : i32
        %mul3A_233 = arith.constant 16 : i32
        %mul3A_234 = arith.muli %scan3A_230, %mul3A_233 : i32
        %get3A_235 = arith.index_cast %mul3A_234 : i32 to index
        %get3A_236 = tpu.vector_load %arg9[%get3A_235] {strides = array<i32>} : memref<8192xf32, #tpu.memory_space<vmem>>, vector<16xf32>,
        %get3A_237 = vector.shape_cast %get3A_236 : vector<16xf32> to vector<16xf32>
        %swap3A_238 = arith.index_cast %mul3A_232 : i32 to index
        %swap3A_239 = tpu.vector_load %arg5[%swap3A_238] {strides = array<i32>} : memref<8192xf32, #tpu.memory_space<vmem>>, vector<16xf32>,
        %swap3A_240 = vector.shape_cast %swap3A_239 : vector<16xf32> to vector<16xf32>
        %swap3A_241 = vector.shape_cast %get3A_237 : vector<16xf32> to vector<16xf32>
        tpu.vector_store %arg5[%swap3A_238], %swap3A_241 {add = true, strides = array<i32>} : memref<8192xf32, #tpu.memory_space<vmem>>, vector<16xf32>,
        %scan3A_242 = arith.constant 5 : i32
        %scan3A_243 = arith.addi %scan3A_180, %scan3A_242 : i32
        %mul3A_244 = arith.constant 16 : i32
        %mul3A_245 = arith.muli %scan3A_243, %mul3A_244 : i32
        %mul3A_246 = arith.constant 16 : i32
        %mul3A_247 = arith.muli %scan3A_243, %mul3A_246 : i32
        %get3A_248 = arith.index_cast %mul3A_247 : i32 to index
        %get3A_249 = tpu.vector_load %arg9[%get3A_248] {strides = array<i32>} : memref<8192xf32, #tpu.memory_space<vmem>>, vector<16xf32>,
        %get3A_250 = vector.shape_cast %get3A_249 : vector<16xf32> to vector<16xf32>
        %swap3A_251 = arith.index_cast %mul3A_245 : i32 to index
        %swap3A_252 = tpu.vector_load %arg5[%swap3A_251] {strides = array<i32>} : memref<8192xf32, #tpu.memory_space<vmem>>, vector<16xf32>,
        %swap3A_253 = vector.shape_cast %swap3A_252 : vector<16xf32> to vector<16xf32>
        %swap3A_254 = vector.shape_cast %get3A_250 : vector<16xf32> to vector<16xf32>
        tpu.vector_store %arg5[%swap3A_251], %swap3A_254 {add = true, strides = array<i32>} : memref<8192xf32, #tpu.memory_space<vmem>>, vector<16xf32>,
        %scan3A_255 = arith.constant 6 : i32
        %scan3A_256 = arith.addi %scan3A_180, %scan3A_255 : i32
        %mul3A_257 = arith.constant 16 : i32
        %mul3A_258 = arith.muli %scan3A_256, %mul3A_257 : i32
        %mul3A_259 = arith.constant 16 : i32
        %mul3A_260 = arith.muli %scan3A_256, %mul3A_259 : i32
        %get3A_261 = arith.index_cast %mul3A_260 : i32 to index
        %get3A_262 = tpu.vector_load %arg9[%get3A_261] {strides = array<i32>} : memref<8192xf32, #tpu.memory_space<vmem>>, vector<16xf32>,
        %get3A_263 = vector.shape_cast %get3A_262 : vector<16xf32> to vector<16xf32>
        %swap3A_264 = arith.index_cast %mul3A_258 : i32 to index
        %swap3A_265 = tpu.vector_load %arg5[%swap3A_264] {strides = array<i32>} : memref<8192xf32, #tpu.memory_space<vmem>>, vector<16xf32>,
        %swap3A_266 = vector.shape_cast %swap3A_265 : vector<16xf32> to vector<16xf32>
        %swap3A_267 = vector.shape_cast %get3A_263 : vector<16xf32> to vector<16xf32>
        tpu.vector_store %arg5[%swap3A_264], %swap3A_267 {add = true, strides = array<i32>} : memref<8192xf32, #tpu.memory_space<vmem>>, vector<16xf32>,
        %scan3A_268 = arith.constant 7 : i32
        %scan3A_269 = arith.addi %scan3A_180, %scan3A_268 : i32
        %mul3A_270 = arith.constant 16 : i32
        %mul3A_271 = arith.muli %scan3A_269, %mul3A_270 : i32
        %mul3A_272 = arith.constant 16 : i32
        %mul3A_273 = arith.muli %scan3A_269, %mul3A_272 : i32
        %get3A_274 = arith.index_cast %mul3A_273 : i32 to index
        %get3A_275 = tpu.vector_load %arg9[%get3A_274] {strides = array<i32>} : memref<8192xf32, #tpu.memory_space<vmem>>, vector<16xf32>,
        %get3A_276 = vector.shape_cast %get3A_275 : vector<16xf32> to vector<16xf32>
        %swap3A_277 = arith.index_cast %mul3A_271 : i32 to index
        %swap3A_278 = tpu.vector_load %arg5[%swap3A_277] {strides = array<i32>} : memref<8192xf32, #tpu.memory_space<vmem>>, vector<16xf32>,
        %swap3A_279 = vector.shape_cast %swap3A_278 : vector<16xf32> to vector<16xf32>
        %swap3A_280 = vector.shape_cast %get3A_276 : vector<16xf32> to vector<16xf32>
        tpu.vector_store %arg5[%swap3A_277], %swap3A_280 {add = true, strides = array<i32>} : memref<8192xf32, #tpu.memory_space<vmem>>, vector<16xf32>,
      }
      %scan3A_72 = arith.constant 512 : i32
      %mul3A_73 = arith.constant 8192 : i32
      %mul3A_74 = arith.muli %add3A_51, %mul3A_73 : i32
      %add3A_75 = arith.addi %mul3A_2, %mul3A_74 : i32
      %dma_start3A_76 = tpu.memref_slice %arg4[%add3A_75] : memref<33554432xf32, #tpu.memory_space<hbm>> -> memref<8192xf32, #tpu.memory_space<hbm>>
      %dma_start3A_77 = tpu.memref_slice %arg4[%add3A_75] : memref<33554432xf32, #tpu.memory_space<hbm>> -> memref<8192xf32, #tpu.memory_space<hbm>>
      tpu.enqueue_dma source(%arg5 : memref<8192xf32, #tpu.memory_space<vmem>>) target(%dma_start3A_77 : memref<8192xf32, #tpu.memory_space<hbm>>) target_semaphore(%arg21 : memref<!tpu.dma_semaphore, #tpu.memory_space<semaphore_mem>>)
      %mul3A_78 = arith.constant 4 : i32
      %mul3A_79 = arith.muli %scan3A_47, %mul3A_78 : i32
      %add3A_80 = arith.constant 1 : i32
      %add3A_81 = arith.addi %mul3A_79, %add3A_80 : i32
      %add3A_82 = arith.constant 4 : i32
      %add3A_83 = arith.addi %add3A_81, %add3A_82 : i32
      %sub3A_84 = arith.constant 1 : i32
      %sub3A_85 = arith.subi %add3A_83, %sub3A_84 : i32
      %lt3A_86 = arith.constant 128 : i32
      %lt3A_87 = arith.cmpi slt, %sub3A_85, %lt3A_86 : i32
      %convert_element_type3A_88 = arith.extui %lt3A_87 : i1 to i32
      %cond3A_89 = arith.constant 0 : i32
      %cond3A_90 = arith.cmpi ne, %convert_element_type3A_88, %cond3A_89 : i32
      scf.if %cond3A_90 {
        %ge3A = arith.constant 1 : i32
        %ge3A_180 = arith.cmpi sge, %add3A_81, %ge3A : i32
        %convert_element_type3A_181 = arith.extui %ge3A_180 : i1 to i32
        %cond3A_182 = arith.constant 0 : i32
        %cond3A_183 = arith.cmpi ne, %convert_element_type3A_181, %cond3A_182 : i32
        scf.if %cond3A_183 {
          %sub3A_198 = arith.constant 1 : i32
          %sub3A_199 = arith.subi %add3A_81, %sub3A_198 : i32
          %mul3A_200 = arith.constant 8192 : i32
          %mul3A_201 = arith.muli %sub3A_199, %mul3A_200 : i32
          %add3A_202 = arith.addi %mul3A_2, %mul3A_201 : i32
          %dma_wait3A_203 = tpu.memref_slice %arg4[%add3A_202] : memref<33554432xf32, #tpu.memory_space<hbm>> -> memref<8192xf32, #tpu.memory_space<hbm>>
          %dma_wait3A_204 = tpu.memref_slice %arg4[%add3A_202] : memref<33554432xf32, #tpu.memory_space<hbm>> -> memref<8192xf32, #tpu.memory_space<hbm>>
          tpu.wait_dma2 semaphore(%arg21 : memref<!tpu.dma_semaphore, #tpu.memory_space<semaphore_mem>>) src(%arg5 : memref<8192xf32, #tpu.memory_space<vmem>>) dst(%dma_wait3A_204 : memref<8192xf32, #tpu.memory_space<hbm>>)
        } else {
        }
        %add3A_184 = arith.constant 4 : i32
        %add3A_185 = arith.addi %add3A_81, %add3A_184 : i32
        %sub3A_186 = arith.constant 1 : i32
        %sub3A_187 = arith.subi %add3A_185, %sub3A_186 : i32
        %mul3A_188 = arith.constant 8192 : i32
        %mul3A_189 = arith.muli %sub3A_187, %mul3A_188 : i32
        %add3A_190 = arith.addi %mul3A_2, %mul3A_189 : i32
        %mul3A_191 = arith.constant 8192 : i32
        %mul3A_192 = arith.muli %sub3A_187, %mul3A_191 : i32
        %add3A_193 = arith.addi %rem3A_3, %mul3A_192 : i32
        %dma_start3A_194 = tpu.memref_slice %arg2[%add3A_190] : memref<33554432xf32, #tpu.memory_space<hbm>> -> memref<8192xf32, #tpu.memory_space<hbm>>
        %dma_start3A_195 = tpu.memref_slice %arg2[%add3A_190] : memref<33554432xf32, #tpu.memory_space<hbm>> -> memref<8192xf32, #tpu.memory_space<hbm>>
        tpu.enqueue_dma source(%dma_start3A_195 : memref<8192xf32, #tpu.memory_space<hbm>>) target(%arg5 : memref<8192xf32, #tpu.memory_space<vmem>>) target_semaphore(%arg13 : memref<!tpu.dma_semaphore, #tpu.memory_space<semaphore_mem>>)
        %dma_start3A_196 = tpu.memref_slice %arg3[%add3A_193] : memref<8388608xf32, #tpu.memory_space<hbm>> -> memref<8192xf32, #tpu.memory_space<hbm>>
        %dma_start3A_197 = tpu.memref_slice %arg3[%add3A_193] : memref<8388608xf32, #tpu.memory_space<hbm>> -> memref<8192xf32, #tpu.memory_space<hbm>>
        tpu.enqueue_dma source(%dma_start3A_197 : memref<8192xf32, #tpu.memory_space<hbm>>) target(%arg9 : memref<8192xf32, #tpu.memory_space<vmem>>) target_semaphore(%arg17 : memref<!tpu.dma_semaphore, #tpu.memory_space<semaphore_mem>>)
      } else {
      }
      %mul3A_91 = arith.constant 8192 : i32
      %mul3A_92 = arith.muli %add3A_81, %mul3A_91 : i32
      %add3A_93 = arith.addi %mul3A_2, %mul3A_92 : i32
      %mul3A_94 = arith.constant 8192 : i32
      %mul3A_95 = arith.muli %add3A_81, %mul3A_94 : i32
      %add3A_96 = arith.addi %rem3A_3, %mul3A_95 : i32
      %dma_wait3A_97 = tpu.memref_slice %arg2[%add3A_93] : memref<33554432xf32, #tpu.memory_space<hbm>> -> memref<8192xf32, #tpu.memory_space<hbm>>
      %dma_wait3A_98 = tpu.memref_slice %arg2[%add3A_93] : memref<33554432xf32, #tpu.memory_space<hbm>> -> memref<8192xf32, #tpu.memory_space<hbm>>
      tpu.wait_dma2 semaphore(%arg14 : memref<!tpu.dma_semaphore, #tpu.memory_space<semaphore_mem>>) src(%dma_wait3A_98 : memref<8192xf32, #tpu.memory_space<hbm>>) dst(%arg6 : memref<8192xf32, #tpu.memory_space<vmem>>)
      %dma_wait3A_99 = tpu.memref_slice %arg3[%add3A_96] : memref<8388608xf32, #tpu.memory_space<hbm>> -> memref<8192xf32, #tpu.memory_space<hbm>>
      %dma_wait3A_100 = tpu.memref_slice %arg3[%add3A_96] : memref<8388608xf32, #tpu.memory_space<hbm>> -> memref<8192xf32, #tpu.memory_space<hbm>>
      tpu.wait_dma2 semaphore(%arg18 : memref<!tpu.dma_semaphore, #tpu.memory_space<semaphore_mem>>) src(%dma_wait3A_100 : memref<8192xf32, #tpu.memory_space<hbm>>) dst(%arg10 : memref<8192xf32, #tpu.memory_space<vmem>>)
      %scan3A_101 = arith.constant 0 : i32
      %scan3A_102 = arith.constant 0 : i32
      %scan3A_103 = arith.constant 512 : i32
      %scan3A_104 = arith.addi %scan3A_102, %scan3A_103 : i32
      %scan3A_105 = arith.constant 8 : i32
      scf.for %scan3A_180 = %scan3A_102 to %scan3A_104 step %scan3A_105  : i32 {
        %mul3A_181 = arith.constant 16 : i32
        %mul3A_182 = arith.muli %scan3A_180, %mul3A_181 : i32
        %mul3A_183 = arith.constant 16 : i32
        %mul3A_184 = arith.muli %scan3A_180, %mul3A_183 : i32
        %get3A = arith.index_cast %mul3A_184 : i32 to index
        %get3A_185 = tpu.vector_load %arg10[%get3A] {strides = array<i32>} : memref<8192xf32, #tpu.memory_space<vmem>>, vector<16xf32>,
        %get3A_186 = vector.shape_cast %get3A_185 : vector<16xf32> to vector<16xf32>
        %swap3A = arith.index_cast %mul3A_182 : i32 to index
        %swap3A_187 = tpu.vector_load %arg6[%swap3A] {strides = array<i32>} : memref<8192xf32, #tpu.memory_space<vmem>>, vector<16xf32>,
        %swap3A_188 = vector.shape_cast %swap3A_187 : vector<16xf32> to vector<16xf32>
        %swap3A_189 = vector.shape_cast %get3A_186 : vector<16xf32> to vector<16xf32>
        tpu.vector_store %arg6[%swap3A], %swap3A_189 {add = true, strides = array<i32>} : memref<8192xf32, #tpu.memory_space<vmem>>, vector<16xf32>,
        %scan3A_190 = arith.constant 1 : i32
        %scan3A_191 = arith.addi %scan3A_180, %scan3A_190 : i32
        %mul3A_192 = arith.constant 16 : i32
        %mul3A_193 = arith.muli %scan3A_191, %mul3A_192 : i32
        %mul3A_194 = arith.constant 16 : i32
        %mul3A_195 = arith.muli %scan3A_191, %mul3A_194 : i32
        %get3A_196 = arith.index_cast %mul3A_195 : i32 to index
        %get3A_197 = tpu.vector_load %arg10[%get3A_196] {strides = array<i32>} : memref<8192xf32, #tpu.memory_space<vmem>>, vector<16xf32>,
        %get3A_198 = vector.shape_cast %get3A_197 : vector<16xf32> to vector<16xf32>
        %swap3A_199 = arith.index_cast %mul3A_193 : i32 to index
        %swap3A_200 = tpu.vector_load %arg6[%swap3A_199] {strides = array<i32>} : memref<8192xf32, #tpu.memory_space<vmem>>, vector<16xf32>,
        %swap3A_201 = vector.shape_cast %swap3A_200 : vector<16xf32> to vector<16xf32>
        %swap3A_202 = vector.shape_cast %get3A_198 : vector<16xf32> to vector<16xf32>
        tpu.vector_store %arg6[%swap3A_199], %swap3A_202 {add = true, strides = array<i32>} : memref<8192xf32, #tpu.memory_space<vmem>>, vector<16xf32>,
        %scan3A_203 = arith.constant 2 : i32
        %scan3A_204 = arith.addi %scan3A_180, %scan3A_203 : i32
        %mul3A_205 = arith.constant 16 : i32
        %mul3A_206 = arith.muli %scan3A_204, %mul3A_205 : i32
        %mul3A_207 = arith.constant 16 : i32
        %mul3A_208 = arith.muli %scan3A_204, %mul3A_207 : i32
        %get3A_209 = arith.index_cast %mul3A_208 : i32 to index
        %get3A_210 = tpu.vector_load %arg10[%get3A_209] {strides = array<i32>} : memref<8192xf32, #tpu.memory_space<vmem>>, vector<16xf32>,
        %get3A_211 = vector.shape_cast %get3A_210 : vector<16xf32> to vector<16xf32>
        %swap3A_212 = arith.index_cast %mul3A_206 : i32 to index
        %swap3A_213 = tpu.vector_load %arg6[%swap3A_212] {strides = array<i32>} : memref<8192xf32, #tpu.memory_space<vmem>>, vector<16xf32>,
        %swap3A_214 = vector.shape_cast %swap3A_213 : vector<16xf32> to vector<16xf32>
        %swap3A_215 = vector.shape_cast %get3A_211 : vector<16xf32> to vector<16xf32>
        tpu.vector_store %arg6[%swap3A_212], %swap3A_215 {add = true, strides = array<i32>} : memref<8192xf32, #tpu.memory_space<vmem>>, vector<16xf32>,
        %scan3A_216 = arith.constant 3 : i32
        %scan3A_217 = arith.addi %scan3A_180, %scan3A_216 : i32
        %mul3A_218 = arith.constant 16 : i32
        %mul3A_219 = arith.muli %scan3A_217, %mul3A_218 : i32
        %mul3A_220 = arith.constant 16 : i32
        %mul3A_221 = arith.muli %scan3A_217, %mul3A_220 : i32
        %get3A_222 = arith.index_cast %mul3A_221 : i32 to index
        %get3A_223 = tpu.vector_load %arg10[%get3A_222] {strides = array<i32>} : memref<8192xf32, #tpu.memory_space<vmem>>, vector<16xf32>,
        %get3A_224 = vector.shape_cast %get3A_223 : vector<16xf32> to vector<16xf32>
        %swap3A_225 = arith.index_cast %mul3A_219 : i32 to index
        %swap3A_226 = tpu.vector_load %arg6[%swap3A_225] {strides = array<i32>} : memref<8192xf32, #tpu.memory_space<vmem>>, vector<16xf32>,
        %swap3A_227 = vector.shape_cast %swap3A_226 : vector<16xf32> to vector<16xf32>
        %swap3A_228 = vector.shape_cast %get3A_224 : vector<16xf32> to vector<16xf32>
        tpu.vector_store %arg6[%swap3A_225], %swap3A_228 {add = true, strides = array<i32>} : memref<8192xf32, #tpu.memory_space<vmem>>, vector<16xf32>,
        %scan3A_229 = arith.constant 4 : i32
        %scan3A_230 = arith.addi %scan3A_180, %scan3A_229 : i32
        %mul3A_231 = arith.constant 16 : i32
        %mul3A_232 = arith.muli %scan3A_230, %mul3A_231 : i32
        %mul3A_233 = arith.constant 16 : i32
        %mul3A_234 = arith.muli %scan3A_230, %mul3A_233 : i32
        %get3A_235 = arith.index_cast %mul3A_234 : i32 to index
        %get3A_236 = tpu.vector_load %arg10[%get3A_235] {strides = array<i32>} : memref<8192xf32, #tpu.memory_space<vmem>>, vector<16xf32>,
        %get3A_237 = vector.shape_cast %get3A_236 : vector<16xf32> to vector<16xf32>
        %swap3A_238 = arith.index_cast %mul3A_232 : i32 to index
        %swap3A_239 = tpu.vector_load %arg6[%swap3A_238] {strides = array<i32>} : memref<8192xf32, #tpu.memory_space<vmem>>, vector<16xf32>,
        %swap3A_240 = vector.shape_cast %swap3A_239 : vector<16xf32> to vector<16xf32>
        %swap3A_241 = vector.shape_cast %get3A_237 : vector<16xf32> to vector<16xf32>
        tpu.vector_store %arg6[%swap3A_238], %swap3A_241 {add = true, strides = array<i32>} : memref<8192xf32, #tpu.memory_space<vmem>>, vector<16xf32>,
        %scan3A_242 = arith.constant 5 : i32
        %scan3A_243 = arith.addi %scan3A_180, %scan3A_242 : i32
        %mul3A_244 = arith.constant 16 : i32
        %mul3A_245 = arith.muli %scan3A_243, %mul3A_244 : i32
        %mul3A_246 = arith.constant 16 : i32
        %mul3A_247 = arith.muli %scan3A_243, %mul3A_246 : i32
        %get3A_248 = arith.index_cast %mul3A_247 : i32 to index
        %get3A_249 = tpu.vector_load %arg10[%get3A_248] {strides = array<i32>} : memref<8192xf32, #tpu.memory_space<vmem>>, vector<16xf32>,
        %get3A_250 = vector.shape_cast %get3A_249 : vector<16xf32> to vector<16xf32>
        %swap3A_251 = arith.index_cast %mul3A_245 : i32 to index
        %swap3A_252 = tpu.vector_load %arg6[%swap3A_251] {strides = array<i32>} : memref<8192xf32, #tpu.memory_space<vmem>>, vector<16xf32>,
        %swap3A_253 = vector.shape_cast %swap3A_252 : vector<16xf32> to vector<16xf32>
        %swap3A_254 = vector.shape_cast %get3A_250 : vector<16xf32> to vector<16xf32>
        tpu.vector_store %arg6[%swap3A_251], %swap3A_254 {add = true, strides = array<i32>} : memref<8192xf32, #tpu.memory_space<vmem>>, vector<16xf32>,
        %scan3A_255 = arith.constant 6 : i32
        %scan3A_256 = arith.addi %scan3A_180, %scan3A_255 : i32
        %mul3A_257 = arith.constant 16 : i32
        %mul3A_258 = arith.muli %scan3A_256, %mul3A_257 : i32
        %mul3A_259 = arith.constant 16 : i32
        %mul3A_260 = arith.muli %scan3A_256, %mul3A_259 : i32
        %get3A_261 = arith.index_cast %mul3A_260 : i32 to index
        %get3A_262 = tpu.vector_load %arg10[%get3A_261] {strides = array<i32>} : memref<8192xf32, #tpu.memory_space<vmem>>, vector<16xf32>,
        %get3A_263 = vector.shape_cast %get3A_262 : vector<16xf32> to vector<16xf32>
        %swap3A_264 = arith.index_cast %mul3A_258 : i32 to index
        %swap3A_265 = tpu.vector_load %arg6[%swap3A_264] {strides = array<i32>} : memref<8192xf32, #tpu.memory_space<vmem>>, vector<16xf32>,
        %swap3A_266 = vector.shape_cast %swap3A_265 : vector<16xf32> to vector<16xf32>
        %swap3A_267 = vector.shape_cast %get3A_263 : vector<16xf32> to vector<16xf32>
        tpu.vector_store %arg6[%swap3A_264], %swap3A_267 {add = true, strides = array<i32>} : memref<8192xf32, #tpu.memory_space<vmem>>, vector<16xf32>,
        %scan3A_268 = arith.constant 7 : i32
        %scan3A_269 = arith.addi %scan3A_180, %scan3A_268 : i32
        %mul3A_270 = arith.constant 16 : i32
        %mul3A_271 = arith.muli %scan3A_269, %mul3A_270 : i32
        %mul3A_272 = arith.constant 16 : i32
        %mul3A_273 = arith.muli %scan3A_269, %mul3A_272 : i32
        %get3A_274 = arith.index_cast %mul3A_273 : i32 to index
        %get3A_275 = tpu.vector_load %arg10[%get3A_274] {strides = array<i32>} : memref<8192xf32, #tpu.memory_space<vmem>>, vector<16xf32>,
        %get3A_276 = vector.shape_cast %get3A_275 : vector<16xf32> to vector<16xf32>
        %swap3A_277 = arith.index_cast %mul3A_271 : i32 to index
        %swap3A_278 = tpu.vector_load %arg6[%swap3A_277] {strides = array<i32>} : memref<8192xf32, #tpu.memory_space<vmem>>, vector<16xf32>,
        %swap3A_279 = vector.shape_cast %swap3A_278 : vector<16xf32> to vector<16xf32>
        %swap3A_280 = vector.shape_cast %get3A_276 : vector<16xf32> to vector<16xf32>
        tpu.vector_store %arg6[%swap3A_277], %swap3A_280 {add = true, strides = array<i32>} : memref<8192xf32, #tpu.memory_space<vmem>>, vector<16xf32>,
      }
      %scan3A_106 = arith.constant 512 : i32
      %mul3A_107 = arith.constant 8192 : i32
      %mul3A_108 = arith.muli %add3A_81, %mul3A_107 : i32
      %add3A_109 = arith.addi %mul3A_2, %mul3A_108 : i32
      %dma_start3A_110 = tpu.memref_slice %arg4[%add3A_109] : memref<33554432xf32, #tpu.memory_space<hbm>> -> memref<8192xf32, #tpu.memory_space<hbm>>
      %dma_start3A_111 = tpu.memref_slice %arg4[%add3A_109] : memref<33554432xf32, #tpu.memory_space<hbm>> -> memref<8192xf32, #tpu.memory_space<hbm>>
      tpu.enqueue_dma source(%arg6 : memref<8192xf32, #tpu.memory_space<vmem>>) target(%dma_start3A_111 : memref<8192xf32, #tpu.memory_space<hbm>>) target_semaphore(%arg22 : memref<!tpu.dma_semaphore, #tpu.memory_space<semaphore_mem>>)
      %mul3A_112 = arith.constant 4 : i32
      %mul3A_113 = arith.muli %scan3A_47, %mul3A_112 : i32
      %add3A_114 = arith.constant 2 : i32
      %add3A_115 = arith.addi %mul3A_113, %add3A_114 : i32
      %add3A_116 = arith.constant 4 : i32
      %add3A_117 = arith.addi %add3A_115, %add3A_116 : i32
      %sub3A_118 = arith.constant 1 : i32
      %sub3A_119 = arith.subi %add3A_117, %sub3A_118 : i32
      %lt3A_120 = arith.constant 128 : i32
      %lt3A_121 = arith.cmpi slt, %sub3A_119, %lt3A_120 : i32
      %convert_element_type3A_122 = arith.extui %lt3A_121 : i1 to i32
      %cond3A_123 = arith.constant 0 : i32
      %cond3A_124 = arith.cmpi ne, %convert_element_type3A_122, %cond3A_123 : i32
      scf.if %cond3A_124 {
        %ge3A = arith.constant 1 : i32
        %ge3A_180 = arith.cmpi sge, %add3A_115, %ge3A : i32
        %convert_element_type3A_181 = arith.extui %ge3A_180 : i1 to i32
        %cond3A_182 = arith.constant 0 : i32
        %cond3A_183 = arith.cmpi ne, %convert_element_type3A_181, %cond3A_182 : i32
        scf.if %cond3A_183 {
          %sub3A_198 = arith.constant 1 : i32
          %sub3A_199 = arith.subi %add3A_115, %sub3A_198 : i32
          %mul3A_200 = arith.constant 8192 : i32
          %mul3A_201 = arith.muli %sub3A_199, %mul3A_200 : i32
          %add3A_202 = arith.addi %mul3A_2, %mul3A_201 : i32
          %dma_wait3A_203 = tpu.memref_slice %arg4[%add3A_202] : memref<33554432xf32, #tpu.memory_space<hbm>> -> memref<8192xf32, #tpu.memory_space<hbm>>
          %dma_wait3A_204 = tpu.memref_slice %arg4[%add3A_202] : memref<33554432xf32, #tpu.memory_space<hbm>> -> memref<8192xf32, #tpu.memory_space<hbm>>
          tpu.wait_dma2 semaphore(%arg22 : memref<!tpu.dma_semaphore, #tpu.memory_space<semaphore_mem>>) src(%arg6 : memref<8192xf32, #tpu.memory_space<vmem>>) dst(%dma_wait3A_204 : memref<8192xf32, #tpu.memory_space<hbm>>)
        } else {
        }
        %add3A_184 = arith.constant 4 : i32
        %add3A_185 = arith.addi %add3A_115, %add3A_184 : i32
        %sub3A_186 = arith.constant 1 : i32
        %sub3A_187 = arith.subi %add3A_185, %sub3A_186 : i32
        %mul3A_188 = arith.constant 8192 : i32
        %mul3A_189 = arith.muli %sub3A_187, %mul3A_188 : i32
        %add3A_190 = arith.addi %mul3A_2, %mul3A_189 : i32
        %mul3A_191 = arith.constant 8192 : i32
        %mul3A_192 = arith.muli %sub3A_187, %mul3A_191 : i32
        %add3A_193 = arith.addi %rem3A_3, %mul3A_192 : i32
        %dma_start3A_194 = tpu.memref_slice %arg2[%add3A_190] : memref<33554432xf32, #tpu.memory_space<hbm>> -> memref<8192xf32, #tpu.memory_space<hbm>>
        %dma_start3A_195 = tpu.memref_slice %arg2[%add3A_190] : memref<33554432xf32, #tpu.memory_space<hbm>> -> memref<8192xf32, #tpu.memory_space<hbm>>
        tpu.enqueue_dma source(%dma_start3A_195 : memref<8192xf32, #tpu.memory_space<hbm>>) target(%arg6 : memref<8192xf32, #tpu.memory_space<vmem>>) target_semaphore(%arg14 : memref<!tpu.dma_semaphore, #tpu.memory_space<semaphore_mem>>)
        %dma_start3A_196 = tpu.memref_slice %arg3[%add3A_193] : memref<8388608xf32, #tpu.memory_space<hbm>> -> memref<8192xf32, #tpu.memory_space<hbm>>
        %dma_start3A_197 = tpu.memref_slice %arg3[%add3A_193] : memref<8388608xf32, #tpu.memory_space<hbm>> -> memref<8192xf32, #tpu.memory_space<hbm>>
        tpu.enqueue_dma source(%dma_start3A_197 : memref<8192xf32, #tpu.memory_space<hbm>>) target(%arg10 : memref<8192xf32, #tpu.memory_space<vmem>>) target_semaphore(%arg18 : memref<!tpu.dma_semaphore, #tpu.memory_space<semaphore_mem>>)
      } else {
      }
      %mul3A_125 = arith.constant 8192 : i32
      %mul3A_126 = arith.muli %add3A_115, %mul3A_125 : i32
      %add3A_127 = arith.addi %mul3A_2, %mul3A_126 : i32
      %mul3A_128 = arith.constant 8192 : i32
      %mul3A_129 = arith.muli %add3A_115, %mul3A_128 : i32
      %add3A_130 = arith.addi %rem3A_3, %mul3A_129 : i32
      %dma_wait3A_131 = tpu.memref_slice %arg2[%add3A_127] : memref<33554432xf32, #tpu.memory_space<hbm>> -> memref<8192xf32, #tpu.memory_space<hbm>>
      %dma_wait3A_132 = tpu.memref_slice %arg2[%add3A_127] : memref<33554432xf32, #tpu.memory_space<hbm>> -> memref<8192xf32, #tpu.memory_space<hbm>>
      tpu.wait_dma2 semaphore(%arg15 : memref<!tpu.dma_semaphore, #tpu.memory_space<semaphore_mem>>) src(%dma_wait3A_132 : memref<8192xf32, #tpu.memory_space<hbm>>) dst(%arg7 : memref<8192xf32, #tpu.memory_space<vmem>>)
      %dma_wait3A_133 = tpu.memref_slice %arg3[%add3A_130] : memref<8388608xf32, #tpu.memory_space<hbm>> -> memref<8192xf32, #tpu.memory_space<hbm>>
      %dma_wait3A_134 = tpu.memref_slice %arg3[%add3A_130] : memref<8388608xf32, #tpu.memory_space<hbm>> -> memref<8192xf32, #tpu.memory_space<hbm>>
      tpu.wait_dma2 semaphore(%arg19 : memref<!tpu.dma_semaphore, #tpu.memory_space<semaphore_mem>>) src(%dma_wait3A_134 : memref<8192xf32, #tpu.memory_space<hbm>>) dst(%arg11 : memref<8192xf32, #tpu.memory_space<vmem>>)
      %scan3A_135 = arith.constant 0 : i32
      %scan3A_136 = arith.constant 0 : i32
      %scan3A_137 = arith.constant 512 : i32
      %scan3A_138 = arith.addi %scan3A_136, %scan3A_137 : i32
      %scan3A_139 = arith.constant 8 : i32
      scf.for %scan3A_180 = %scan3A_136 to %scan3A_138 step %scan3A_139  : i32 {
        %mul3A_181 = arith.constant 16 : i32
        %mul3A_182 = arith.muli %scan3A_180, %mul3A_181 : i32
        %mul3A_183 = arith.constant 16 : i32
        %mul3A_184 = arith.muli %scan3A_180, %mul3A_183 : i32
        %get3A = arith.index_cast %mul3A_184 : i32 to index
        %get3A_185 = tpu.vector_load %arg11[%get3A] {strides = array<i32>} : memref<8192xf32, #tpu.memory_space<vmem>>, vector<16xf32>,
        %get3A_186 = vector.shape_cast %get3A_185 : vector<16xf32> to vector<16xf32>
        %swap3A = arith.index_cast %mul3A_182 : i32 to index
        %swap3A_187 = tpu.vector_load %arg7[%swap3A] {strides = array<i32>} : memref<8192xf32, #tpu.memory_space<vmem>>, vector<16xf32>,
        %swap3A_188 = vector.shape_cast %swap3A_187 : vector<16xf32> to vector<16xf32>
        %swap3A_189 = vector.shape_cast %get3A_186 : vector<16xf32> to vector<16xf32>
        tpu.vector_store %arg7[%swap3A], %swap3A_189 {add = true, strides = array<i32>} : memref<8192xf32, #tpu.memory_space<vmem>>, vector<16xf32>,
        %scan3A_190 = arith.constant 1 : i32
        %scan3A_191 = arith.addi %scan3A_180, %scan3A_190 : i32
        %mul3A_192 = arith.constant 16 : i32
        %mul3A_193 = arith.muli %scan3A_191, %mul3A_192 : i32
        %mul3A_194 = arith.constant 16 : i32
        %mul3A_195 = arith.muli %scan3A_191, %mul3A_194 : i32
        %get3A_196 = arith.index_cast %mul3A_195 : i32 to index
        %get3A_197 = tpu.vector_load %arg11[%get3A_196] {strides = array<i32>} : memref<8192xf32, #tpu.memory_space<vmem>>, vector<16xf32>,
        %get3A_198 = vector.shape_cast %get3A_197 : vector<16xf32> to vector<16xf32>
        %swap3A_199 = arith.index_cast %mul3A_193 : i32 to index
        %swap3A_200 = tpu.vector_load %arg7[%swap3A_199] {strides = array<i32>} : memref<8192xf32, #tpu.memory_space<vmem>>, vector<16xf32>,
        %swap3A_201 = vector.shape_cast %swap3A_200 : vector<16xf32> to vector<16xf32>
        %swap3A_202 = vector.shape_cast %get3A_198 : vector<16xf32> to vector<16xf32>
        tpu.vector_store %arg7[%swap3A_199], %swap3A_202 {add = true, strides = array<i32>} : memref<8192xf32, #tpu.memory_space<vmem>>, vector<16xf32>,
        %scan3A_203 = arith.constant 2 : i32
        %scan3A_204 = arith.addi %scan3A_180, %scan3A_203 : i32
        %mul3A_205 = arith.constant 16 : i32
        %mul3A_206 = arith.muli %scan3A_204, %mul3A_205 : i32
        %mul3A_207 = arith.constant 16 : i32
        %mul3A_208 = arith.muli %scan3A_204, %mul3A_207 : i32
        %get3A_209 = arith.index_cast %mul3A_208 : i32 to index
        %get3A_210 = tpu.vector_load %arg11[%get3A_209] {strides = array<i32>} : memref<8192xf32, #tpu.memory_space<vmem>>, vector<16xf32>,
        %get3A_211 = vector.shape_cast %get3A_210 : vector<16xf32> to vector<16xf32>
        %swap3A_212 = arith.index_cast %mul3A_206 : i32 to index
        %swap3A_213 = tpu.vector_load %arg7[%swap3A_212] {strides = array<i32>} : memref<8192xf32, #tpu.memory_space<vmem>>, vector<16xf32>,
        %swap3A_214 = vector.shape_cast %swap3A_213 : vector<16xf32> to vector<16xf32>
        %swap3A_215 = vector.shape_cast %get3A_211 : vector<16xf32> to vector<16xf32>
        tpu.vector_store %arg7[%swap3A_212], %swap3A_215 {add = true, strides = array<i32>} : memref<8192xf32, #tpu.memory_space<vmem>>, vector<16xf32>,
        %scan3A_216 = arith.constant 3 : i32
        %scan3A_217 = arith.addi %scan3A_180, %scan3A_216 : i32
        %mul3A_218 = arith.constant 16 : i32
        %mul3A_219 = arith.muli %scan3A_217, %mul3A_218 : i32
        %mul3A_220 = arith.constant 16 : i32
        %mul3A_221 = arith.muli %scan3A_217, %mul3A_220 : i32
        %get3A_222 = arith.index_cast %mul3A_221 : i32 to index
        %get3A_223 = tpu.vector_load %arg11[%get3A_222] {strides = array<i32>} : memref<8192xf32, #tpu.memory_space<vmem>>, vector<16xf32>,
        %get3A_224 = vector.shape_cast %get3A_223 : vector<16xf32> to vector<16xf32>
        %swap3A_225 = arith.index_cast %mul3A_219 : i32 to index
        %swap3A_226 = tpu.vector_load %arg7[%swap3A_225] {strides = array<i32>} : memref<8192xf32, #tpu.memory_space<vmem>>, vector<16xf32>,
        %swap3A_227 = vector.shape_cast %swap3A_226 : vector<16xf32> to vector<16xf32>
        %swap3A_228 = vector.shape_cast %get3A_224 : vector<16xf32> to vector<16xf32>
        tpu.vector_store %arg7[%swap3A_225], %swap3A_228 {add = true, strides = array<i32>} : memref<8192xf32, #tpu.memory_space<vmem>>, vector<16xf32>,
        %scan3A_229 = arith.constant 4 : i32
        %scan3A_230 = arith.addi %scan3A_180, %scan3A_229 : i32
        %mul3A_231 = arith.constant 16 : i32
        %mul3A_232 = arith.muli %scan3A_230, %mul3A_231 : i32
        %mul3A_233 = arith.constant 16 : i32
        %mul3A_234 = arith.muli %scan3A_230, %mul3A_233 : i32
        %get3A_235 = arith.index_cast %mul3A_234 : i32 to index
        %get3A_236 = tpu.vector_load %arg11[%get3A_235] {strides = array<i32>} : memref<8192xf32, #tpu.memory_space<vmem>>, vector<16xf32>,
        %get3A_237 = vector.shape_cast %get3A_236 : vector<16xf32> to vector<16xf32>
        %swap3A_238 = arith.index_cast %mul3A_232 : i32 to index
        %swap3A_239 = tpu.vector_load %arg7[%swap3A_238] {strides = array<i32>} : memref<8192xf32, #tpu.memory_space<vmem>>, vector<16xf32>,
        %swap3A_240 = vector.shape_cast %swap3A_239 : vector<16xf32> to vector<16xf32>
        %swap3A_241 = vector.shape_cast %get3A_237 : vector<16xf32> to vector<16xf32>
        tpu.vector_store %arg7[%swap3A_238], %swap3A_241 {add = true, strides = array<i32>} : memref<8192xf32, #tpu.memory_space<vmem>>, vector<16xf32>,
        %scan3A_242 = arith.constant 5 : i32
        %scan3A_243 = arith.addi %scan3A_180, %scan3A_242 : i32
        %mul3A_244 = arith.constant 16 : i32
        %mul3A_245 = arith.muli %scan3A_243, %mul3A_244 : i32
        %mul3A_246 = arith.constant 16 : i32
        %mul3A_247 = arith.muli %scan3A_243, %mul3A_246 : i32
        %get3A_248 = arith.index_cast %mul3A_247 : i32 to index
        %get3A_249 = tpu.vector_load %arg11[%get3A_248] {strides = array<i32>} : memref<8192xf32, #tpu.memory_space<vmem>>, vector<16xf32>,
        %get3A_250 = vector.shape_cast %get3A_249 : vector<16xf32> to vector<16xf32>
        %swap3A_251 = arith.index_cast %mul3A_245 : i32 to index
        %swap3A_252 = tpu.vector_load %arg7[%swap3A_251] {strides = array<i32>} : memref<8192xf32, #tpu.memory_space<vmem>>, vector<16xf32>,
        %swap3A_253 = vector.shape_cast %swap3A_252 : vector<16xf32> to vector<16xf32>
        %swap3A_254 = vector.shape_cast %get3A_250 : vector<16xf32> to vector<16xf32>
        tpu.vector_store %arg7[%swap3A_251], %swap3A_254 {add = true, strides = array<i32>} : memref<8192xf32, #tpu.memory_space<vmem>>, vector<16xf32>,
        %scan3A_255 = arith.constant 6 : i32
        %scan3A_256 = arith.addi %scan3A_180, %scan3A_255 : i32
        %mul3A_257 = arith.constant 16 : i32
        %mul3A_258 = arith.muli %scan3A_256, %mul3A_257 : i32
        %mul3A_259 = arith.constant 16 : i32
        %mul3A_260 = arith.muli %scan3A_256, %mul3A_259 : i32
        %get3A_261 = arith.index_cast %mul3A_260 : i32 to index
        %get3A_262 = tpu.vector_load %arg11[%get3A_261] {strides = array<i32>} : memref<8192xf32, #tpu.memory_space<vmem>>, vector<16xf32>,
        %get3A_263 = vector.shape_cast %get3A_262 : vector<16xf32> to vector<16xf32>
        %swap3A_264 = arith.index_cast %mul3A_258 : i32 to index
        %swap3A_265 = tpu.vector_load %arg7[%swap3A_264] {strides = array<i32>} : memref<8192xf32, #tpu.memory_space<vmem>>, vector<16xf32>,
        %swap3A_266 = vector.shape_cast %swap3A_265 : vector<16xf32> to vector<16xf32>
        %swap3A_267 = vector.shape_cast %get3A_263 : vector<16xf32> to vector<16xf32>
        tpu.vector_store %arg7[%swap3A_264], %swap3A_267 {add = true, strides = array<i32>} : memref<8192xf32, #tpu.memory_space<vmem>>, vector<16xf32>,
        %scan3A_268 = arith.constant 7 : i32
        %scan3A_269 = arith.addi %scan3A_180, %scan3A_268 : i32
        %mul3A_270 = arith.constant 16 : i32
        %mul3A_271 = arith.muli %scan3A_269, %mul3A_270 : i32
        %mul3A_272 = arith.constant 16 : i32
        %mul3A_273 = arith.muli %scan3A_269, %mul3A_272 : i32
        %get3A_274 = arith.index_cast %mul3A_273 : i32 to index
        %get3A_275 = tpu.vector_load %arg11[%get3A_274] {strides = array<i32>} : memref<8192xf32, #tpu.memory_space<vmem>>, vector<16xf32>,
        %get3A_276 = vector.shape_cast %get3A_275 : vector<16xf32> to vector<16xf32>
        %swap3A_277 = arith.index_cast %mul3A_271 : i32 to index
        %swap3A_278 = tpu.vector_load %arg7[%swap3A_277] {strides = array<i32>} : memref<8192xf32, #tpu.memory_space<vmem>>, vector<16xf32>,
        %swap3A_279 = vector.shape_cast %swap3A_278 : vector<16xf32> to vector<16xf32>
        %swap3A_280 = vector.shape_cast %get3A_276 : vector<16xf32> to vector<16xf32>
        tpu.vector_store %arg7[%swap3A_277], %swap3A_280 {add = true, strides = array<i32>} : memref<8192xf32, #tpu.memory_space<vmem>>, vector<16xf32>,
      }
      %scan3A_140 = arith.constant 512 : i32
      %mul3A_141 = arith.constant 8192 : i32
      %mul3A_142 = arith.muli %add3A_115, %mul3A_141 : i32
      %add3A_143 = arith.addi %mul3A_2, %mul3A_142 : i32
      %dma_start3A_144 = tpu.memref_slice %arg4[%add3A_143] : memref<33554432xf32, #tpu.memory_space<hbm>> -> memref<8192xf32, #tpu.memory_space<hbm>>
      %dma_start3A_145 = tpu.memref_slice %arg4[%add3A_143] : memref<33554432xf32, #tpu.memory_space<hbm>> -> memref<8192xf32, #tpu.memory_space<hbm>>
      tpu.enqueue_dma source(%arg7 : memref<8192xf32, #tpu.memory_space<vmem>>) target(%dma_start3A_145 : memref<8192xf32, #tpu.memory_space<hbm>>) target_semaphore(%arg23 : memref<!tpu.dma_semaphore, #tpu.memory_space<semaphore_mem>>)
      %mul3A_146 = arith.constant 4 : i32
      %mul3A_147 = arith.muli %scan3A_47, %mul3A_146 : i32
      %add3A_148 = arith.constant 3 : i32
      %add3A_149 = arith.addi %mul3A_147, %add3A_148 : i32
      %add3A_150 = arith.constant 4 : i32
      %add3A_151 = arith.addi %add3A_149, %add3A_150 : i32
      %sub3A_152 = arith.constant 1 : i32
      %sub3A_153 = arith.subi %add3A_151, %sub3A_152 : i32
      %lt3A_154 = arith.constant 128 : i32
      %lt3A_155 = arith.cmpi slt, %sub3A_153, %lt3A_154 : i32
      %convert_element_type3A_156 = arith.extui %lt3A_155 : i1 to i32
      %cond3A_157 = arith.constant 0 : i32
      %cond3A_158 = arith.cmpi ne, %convert_element_type3A_156, %cond3A_157 : i32
      scf.if %cond3A_158 {
        %ge3A = arith.constant 1 : i32
        %ge3A_180 = arith.cmpi sge, %add3A_149, %ge3A : i32
        %convert_element_type3A_181 = arith.extui %ge3A_180 : i1 to i32
        %cond3A_182 = arith.constant 0 : i32
        %cond3A_183 = arith.cmpi ne, %convert_element_type3A_181, %cond3A_182 : i32
        scf.if %cond3A_183 {
          %sub3A_198 = arith.constant 1 : i32
          %sub3A_199 = arith.subi %add3A_149, %sub3A_198 : i32
          %mul3A_200 = arith.constant 8192 : i32
          %mul3A_201 = arith.muli %sub3A_199, %mul3A_200 : i32
          %add3A_202 = arith.addi %mul3A_2, %mul3A_201 : i32
          %dma_wait3A_203 = tpu.memref_slice %arg4[%add3A_202] : memref<33554432xf32, #tpu.memory_space<hbm>> -> memref<8192xf32, #tpu.memory_space<hbm>>
          %dma_wait3A_204 = tpu.memref_slice %arg4[%add3A_202] : memref<33554432xf32, #tpu.memory_space<hbm>> -> memref<8192xf32, #tpu.memory_space<hbm>>
          tpu.wait_dma2 semaphore(%arg23 : memref<!tpu.dma_semaphore, #tpu.memory_space<semaphore_mem>>) src(%arg7 : memref<8192xf32, #tpu.memory_space<vmem>>) dst(%dma_wait3A_204 : memref<8192xf32, #tpu.memory_space<hbm>>)
        } else {
        }
        %add3A_184 = arith.constant 4 : i32
        %add3A_185 = arith.addi %add3A_149, %add3A_184 : i32
        %sub3A_186 = arith.constant 1 : i32
        %sub3A_187 = arith.subi %add3A_185, %sub3A_186 : i32
        %mul3A_188 = arith.constant 8192 : i32
        %mul3A_189 = arith.muli %sub3A_187, %mul3A_188 : i32
        %add3A_190 = arith.addi %mul3A_2, %mul3A_189 : i32
        %mul3A_191 = arith.constant 8192 : i32
        %mul3A_192 = arith.muli %sub3A_187, %mul3A_191 : i32
        %add3A_193 = arith.addi %rem3A_3, %mul3A_192 : i32
        %dma_start3A_194 = tpu.memref_slice %arg2[%add3A_190] : memref<33554432xf32, #tpu.memory_space<hbm>> -> memref<8192xf32, #tpu.memory_space<hbm>>
        %dma_start3A_195 = tpu.memref_slice %arg2[%add3A_190] : memref<33554432xf32, #tpu.memory_space<hbm>> -> memref<8192xf32, #tpu.memory_space<hbm>>
        tpu.enqueue_dma source(%dma_start3A_195 : memref<8192xf32, #tpu.memory_space<hbm>>) target(%arg7 : memref<8192xf32, #tpu.memory_space<vmem>>) target_semaphore(%arg15 : memref<!tpu.dma_semaphore, #tpu.memory_space<semaphore_mem>>)
        %dma_start3A_196 = tpu.memref_slice %arg3[%add3A_193] : memref<8388608xf32, #tpu.memory_space<hbm>> -> memref<8192xf32, #tpu.memory_space<hbm>>
        %dma_start3A_197 = tpu.memref_slice %arg3[%add3A_193] : memref<8388608xf32, #tpu.memory_space<hbm>> -> memref<8192xf32, #tpu.memory_space<hbm>>
        tpu.enqueue_dma source(%dma_start3A_197 : memref<8192xf32, #tpu.memory_space<hbm>>) target(%arg11 : memref<8192xf32, #tpu.memory_space<vmem>>) target_semaphore(%arg19 : memref<!tpu.dma_semaphore, #tpu.memory_space<semaphore_mem>>)
      } else {
      }
      %mul3A_159 = arith.constant 8192 : i32
      %mul3A_160 = arith.muli %add3A_149, %mul3A_159 : i32
      %add3A_161 = arith.addi %mul3A_2, %mul3A_160 : i32
      %mul3A_162 = arith.constant 8192 : i32
      %mul3A_163 = arith.muli %add3A_149, %mul3A_162 : i32
      %add3A_164 = arith.addi %rem3A_3, %mul3A_163 : i32
      %dma_wait3A_165 = tpu.memref_slice %arg2[%add3A_161] : memref<33554432xf32, #tpu.memory_space<hbm>> -> memref<8192xf32, #tpu.memory_space<hbm>>
      %dma_wait3A_166 = tpu.memref_slice %arg2[%add3A_161] : memref<33554432xf32, #tpu.memory_space<hbm>> -> memref<8192xf32, #tpu.memory_space<hbm>>
      tpu.wait_dma2 semaphore(%arg16 : memref<!tpu.dma_semaphore, #tpu.memory_space<semaphore_mem>>) src(%dma_wait3A_166 : memref<8192xf32, #tpu.memory_space<hbm>>) dst(%arg8 : memref<8192xf32, #tpu.memory_space<vmem>>)
      %dma_wait3A_167 = tpu.memref_slice %arg3[%add3A_164] : memref<8388608xf32, #tpu.memory_space<hbm>> -> memref<8192xf32, #tpu.memory_space<hbm>>
      %dma_wait3A_168 = tpu.memref_slice %arg3[%add3A_164] : memref<8388608xf32, #tpu.memory_space<hbm>> -> memref<8192xf32, #tpu.memory_space<hbm>>
      tpu.wait_dma2 semaphore(%arg20 : memref<!tpu.dma_semaphore, #tpu.memory_space<semaphore_mem>>) src(%dma_wait3A_168 : memref<8192xf32, #tpu.memory_space<hbm>>) dst(%arg12 : memref<8192xf32, #tpu.memory_space<vmem>>)
      %scan3A_169 = arith.constant 0 : i32
      %scan3A_170 = arith.constant 0 : i32
      %scan3A_171 = arith.constant 512 : i32
      %scan3A_172 = arith.addi %scan3A_170, %scan3A_171 : i32
      %scan3A_173 = arith.constant 8 : i32
      scf.for %scan3A_180 = %scan3A_170 to %scan3A_172 step %scan3A_173  : i32 {
        %mul3A_181 = arith.constant 16 : i32
        %mul3A_182 = arith.muli %scan3A_180, %mul3A_181 : i32
        %mul3A_183 = arith.constant 16 : i32
        %mul3A_184 = arith.muli %scan3A_180, %mul3A_183 : i32
        %get3A = arith.index_cast %mul3A_184 : i32 to index
        %get3A_185 = tpu.vector_load %arg12[%get3A] {strides = array<i32>} : memref<8192xf32, #tpu.memory_space<vmem>>, vector<16xf32>,
        %get3A_186 = vector.shape_cast %get3A_185 : vector<16xf32> to vector<16xf32>
        %swap3A = arith.index_cast %mul3A_182 : i32 to index
        %swap3A_187 = tpu.vector_load %arg8[%swap3A] {strides = array<i32>} : memref<8192xf32, #tpu.memory_space<vmem>>, vector<16xf32>,
        %swap3A_188 = vector.shape_cast %swap3A_187 : vector<16xf32> to vector<16xf32>
        %swap3A_189 = vector.shape_cast %get3A_186 : vector<16xf32> to vector<16xf32>
        tpu.vector_store %arg8[%swap3A], %swap3A_189 {add = true, strides = array<i32>} : memref<8192xf32, #tpu.memory_space<vmem>>, vector<16xf32>,
        %scan3A_190 = arith.constant 1 : i32
        %scan3A_191 = arith.addi %scan3A_180, %scan3A_190 : i32
        %mul3A_192 = arith.constant 16 : i32
        %mul3A_193 = arith.muli %scan3A_191, %mul3A_192 : i32
        %mul3A_194 = arith.constant 16 : i32
        %mul3A_195 = arith.muli %scan3A_191, %mul3A_194 : i32
        %get3A_196 = arith.index_cast %mul3A_195 : i32 to index
        %get3A_197 = tpu.vector_load %arg12[%get3A_196] {strides = array<i32>} : memref<8192xf32, #tpu.memory_space<vmem>>, vector<16xf32>,
        %get3A_198 = vector.shape_cast %get3A_197 : vector<16xf32> to vector<16xf32>
        %swap3A_199 = arith.index_cast %mul3A_193 : i32 to index
        %swap3A_200 = tpu.vector_load %arg8[%swap3A_199] {strides = array<i32>} : memref<8192xf32, #tpu.memory_space<vmem>>, vector<16xf32>,
        %swap3A_201 = vector.shape_cast %swap3A_200 : vector<16xf32> to vector<16xf32>
        %swap3A_202 = vector.shape_cast %get3A_198 : vector<16xf32> to vector<16xf32>
        tpu.vector_store %arg8[%swap3A_199], %swap3A_202 {add = true, strides = array<i32>} : memref<8192xf32, #tpu.memory_space<vmem>>, vector<16xf32>,
        %scan3A_203 = arith.constant 2 : i32
        %scan3A_204 = arith.addi %scan3A_180, %scan3A_203 : i32
        %mul3A_205 = arith.constant 16 : i32
        %mul3A_206 = arith.muli %scan3A_204, %mul3A_205 : i32
        %mul3A_207 = arith.constant 16 : i32
        %mul3A_208 = arith.muli %scan3A_204, %mul3A_207 : i32
        %get3A_209 = arith.index_cast %mul3A_208 : i32 to index
        %get3A_210 = tpu.vector_load %arg12[%get3A_209] {strides = array<i32>} : memref<8192xf32, #tpu.memory_space<vmem>>, vector<16xf32>,
        %get3A_211 = vector.shape_cast %get3A_210 : vector<16xf32> to vector<16xf32>
        %swap3A_212 = arith.index_cast %mul3A_206 : i32 to index
        %swap3A_213 = tpu.vector_load %arg8[%swap3A_212] {strides = array<i32>} : memref<8192xf32, #tpu.memory_space<vmem>>, vector<16xf32>,
        %swap3A_214 = vector.shape_cast %swap3A_213 : vector<16xf32> to vector<16xf32>
        %swap3A_215 = vector.shape_cast %get3A_211 : vector<16xf32> to vector<16xf32>
        tpu.vector_store %arg8[%swap3A_212], %swap3A_215 {add = true, strides = array<i32>} : memref<8192xf32, #tpu.memory_space<vmem>>, vector<16xf32>,
        %scan3A_216 = arith.constant 3 : i32
        %scan3A_217 = arith.addi %scan3A_180, %scan3A_216 : i32
        %mul3A_218 = arith.constant 16 : i32
        %mul3A_219 = arith.muli %scan3A_217, %mul3A_218 : i32
        %mul3A_220 = arith.constant 16 : i32
        %mul3A_221 = arith.muli %scan3A_217, %mul3A_220 : i32
        %get3A_222 = arith.index_cast %mul3A_221 : i32 to index
        %get3A_223 = tpu.vector_load %arg12[%get3A_222] {strides = array<i32>} : memref<8192xf32, #tpu.memory_space<vmem>>, vector<16xf32>,
        %get3A_224 = vector.shape_cast %get3A_223 : vector<16xf32> to vector<16xf32>
        %swap3A_225 = arith.index_cast %mul3A_219 : i32 to index
        %swap3A_226 = tpu.vector_load %arg8[%swap3A_225] {strides = array<i32>} : memref<8192xf32, #tpu.memory_space<vmem>>, vector<16xf32>,
        %swap3A_227 = vector.shape_cast %swap3A_226 : vector<16xf32> to vector<16xf32>
        %swap3A_228 = vector.shape_cast %get3A_224 : vector<16xf32> to vector<16xf32>
        tpu.vector_store %arg8[%swap3A_225], %swap3A_228 {add = true, strides = array<i32>} : memref<8192xf32, #tpu.memory_space<vmem>>, vector<16xf32>,
        %scan3A_229 = arith.constant 4 : i32
        %scan3A_230 = arith.addi %scan3A_180, %scan3A_229 : i32
        %mul3A_231 = arith.constant 16 : i32
        %mul3A_232 = arith.muli %scan3A_230, %mul3A_231 : i32
        %mul3A_233 = arith.constant 16 : i32
        %mul3A_234 = arith.muli %scan3A_230, %mul3A_233 : i32
        %get3A_235 = arith.index_cast %mul3A_234 : i32 to index
        %get3A_236 = tpu.vector_load %arg12[%get3A_235] {strides = array<i32>} : memref<8192xf32, #tpu.memory_space<vmem>>, vector<16xf32>,
        %get3A_237 = vector.shape_cast %get3A_236 : vector<16xf32> to vector<16xf32>
        %swap3A_238 = arith.index_cast %mul3A_232 : i32 to index
        %swap3A_239 = tpu.vector_load %arg8[%swap3A_238] {strides = array<i32>} : memref<8192xf32, #tpu.memory_space<vmem>>, vector<16xf32>,
        %swap3A_240 = vector.shape_cast %swap3A_239 : vector<16xf32> to vector<16xf32>
        %swap3A_241 = vector.shape_cast %get3A_237 : vector<16xf32> to vector<16xf32>
        tpu.vector_store %arg8[%swap3A_238], %swap3A_241 {add = true, strides = array<i32>} : memref<8192xf32, #tpu.memory_space<vmem>>, vector<16xf32>,
        %scan3A_242 = arith.constant 5 : i32
        %scan3A_243 = arith.addi %scan3A_180, %scan3A_242 : i32
        %mul3A_244 = arith.constant 16 : i32
        %mul3A_245 = arith.muli %scan3A_243, %mul3A_244 : i32
        %mul3A_246 = arith.constant 16 : i32
        %mul3A_247 = arith.muli %scan3A_243, %mul3A_246 : i32
        %get3A_248 = arith.index_cast %mul3A_247 : i32 to index
        %get3A_249 = tpu.vector_load %arg12[%get3A_248] {strides = array<i32>} : memref<8192xf32, #tpu.memory_space<vmem>>, vector<16xf32>,
        %get3A_250 = vector.shape_cast %get3A_249 : vector<16xf32> to vector<16xf32>
        %swap3A_251 = arith.index_cast %mul3A_245 : i32 to index
        %swap3A_252 = tpu.vector_load %arg8[%swap3A_251] {strides = array<i32>} : memref<8192xf32, #tpu.memory_space<vmem>>, vector<16xf32>,
        %swap3A_253 = vector.shape_cast %swap3A_252 : vector<16xf32> to vector<16xf32>
        %swap3A_254 = vector.shape_cast %get3A_250 : vector<16xf32> to vector<16xf32>
        tpu.vector_store %arg8[%swap3A_251], %swap3A_254 {add = true, strides = array<i32>} : memref<8192xf32, #tpu.memory_space<vmem>>, vector<16xf32>,
        %scan3A_255 = arith.constant 6 : i32
        %scan3A_256 = arith.addi %scan3A_180, %scan3A_255 : i32
        %mul3A_257 = arith.constant 16 : i32
        %mul3A_258 = arith.muli %scan3A_256, %mul3A_257 : i32
        %mul3A_259 = arith.constant 16 : i32
        %mul3A_260 = arith.muli %scan3A_256, %mul3A_259 : i32
        %get3A_261 = arith.index_cast %mul3A_260 : i32 to index
        %get3A_262 = tpu.vector_load %arg12[%get3A_261] {strides = array<i32>} : memref<8192xf32, #tpu.memory_space<vmem>>, vector<16xf32>,
        %get3A_263 = vector.shape_cast %get3A_262 : vector<16xf32> to vector<16xf32>
        %swap3A_264 = arith.index_cast %mul3A_258 : i32 to index
        %swap3A_265 = tpu.vector_load %arg8[%swap3A_264] {strides = array<i32>} : memref<8192xf32, #tpu.memory_space<vmem>>, vector<16xf32>,
        %swap3A_266 = vector.shape_cast %swap3A_265 : vector<16xf32> to vector<16xf32>
        %swap3A_267 = vector.shape_cast %get3A_263 : vector<16xf32> to vector<16xf32>
        tpu.vector_store %arg8[%swap3A_264], %swap3A_267 {add = true, strides = array<i32>} : memref<8192xf32, #tpu.memory_space<vmem>>, vector<16xf32>,
        %scan3A_268 = arith.constant 7 : i32
        %scan3A_269 = arith.addi %scan3A_180, %scan3A_268 : i32
        %mul3A_270 = arith.constant 16 : i32
        %mul3A_271 = arith.muli %scan3A_269, %mul3A_270 : i32
        %mul3A_272 = arith.constant 16 : i32
        %mul3A_273 = arith.muli %scan3A_269, %mul3A_272 : i32
        %get3A_274 = arith.index_cast %mul3A_273 : i32 to index
        %get3A_275 = tpu.vector_load %arg12[%get3A_274] {strides = array<i32>} : memref<8192xf32, #tpu.memory_space<vmem>>, vector<16xf32>,
        %get3A_276 = vector.shape_cast %get3A_275 : vector<16xf32> to vector<16xf32>
        %swap3A_277 = arith.index_cast %mul3A_271 : i32 to index
        %swap3A_278 = tpu.vector_load %arg8[%swap3A_277] {strides = array<i32>} : memref<8192xf32, #tpu.memory_space<vmem>>, vector<16xf32>,
        %swap3A_279 = vector.shape_cast %swap3A_278 : vector<16xf32> to vector<16xf32>
        %swap3A_280 = vector.shape_cast %get3A_276 : vector<16xf32> to vector<16xf32>
        tpu.vector_store %arg8[%swap3A_277], %swap3A_280 {add = true, strides = array<i32>} : memref<8192xf32, #tpu.memory_space<vmem>>, vector<16xf32>,
      }
      %scan3A_174 = arith.constant 512 : i32
      %mul3A_175 = arith.constant 8192 : i32
      %mul3A_176 = arith.muli %add3A_149, %mul3A_175 : i32
      %add3A_177 = arith.addi %mul3A_2, %mul3A_176 : i32
      %dma_start3A_178 = tpu.memref_slice %arg4[%add3A_177] : memref<33554432xf32, #tpu.memory_space<hbm>> -> memref<8192xf32, #tpu.memory_space<hbm>>
      %dma_start3A_179 = tpu.memref_slice %arg4[%add3A_177] : memref<33554432xf32, #tpu.memory_space<hbm>> -> memref<8192xf32, #tpu.memory_space<hbm>>
      tpu.enqueue_dma source(%arg8 : memref<8192xf32, #tpu.memory_space<vmem>>) target(%dma_start3A_179 : memref<8192xf32, #tpu.memory_space<hbm>>) target_semaphore(%arg24 : memref<!tpu.dma_semaphore, #tpu.memory_space<semaphore_mem>>)
    }
    %scan3A_31 = arith.constant 32 : i32
    %add3A_32 = arith.constant 1015808 : i32
    %add3A_33 = arith.addi %mul3A_2, %add3A_32 : i32
    %dma_wait3A = tpu.memref_slice %arg4[%add3A_33] : memref<33554432xf32, #tpu.memory_space<hbm>> -> memref<8192xf32, #tpu.memory_space<hbm>>
    %dma_wait3A_34 = tpu.memref_slice %arg4[%add3A_33] : memref<33554432xf32, #tpu.memory_space<hbm>> -> memref<8192xf32, #tpu.memory_space<hbm>>
    tpu.wait_dma2 semaphore(%arg21 : memref<!tpu.dma_semaphore, #tpu.memory_space<semaphore_mem>>) src(%arg5 : memref<8192xf32, #tpu.memory_space<vmem>>) dst(%dma_wait3A_34 : memref<8192xf32, #tpu.memory_space<hbm>>)
    %add3A_35 = arith.constant 1024000 : i32
    %add3A_36 = arith.addi %mul3A_2, %add3A_35 : i32
    %dma_wait3A_37 = tpu.memref_slice %arg4[%add3A_36] : memref<33554432xf32, #tpu.memory_space<hbm>> -> memref<8192xf32, #tpu.memory_space<hbm>>
    %dma_wait3A_38 = tpu.memref_slice %arg4[%add3A_36] : memref<33554432xf32, #tpu.memory_space<hbm>> -> memref<8192xf32, #tpu.memory_space<hbm>>
    tpu.wait_dma2 semaphore(%arg22 : memref<!tpu.dma_semaphore, #tpu.memory_space<semaphore_mem>>) src(%arg6 : memref<8192xf32, #tpu.memory_space<vmem>>) dst(%dma_wait3A_38 : memref<8192xf32, #tpu.memory_space<hbm>>)
    %add3A_39 = arith.constant 1032192 : i32
    %add3A_40 = arith.addi %mul3A_2, %add3A_39 : i32
    %dma_wait3A_41 = tpu.memref_slice %arg4[%add3A_40] : memref<33554432xf32, #tpu.memory_space<hbm>> -> memref<8192xf32, #tpu.memory_space<hbm>>
    %dma_wait3A_42 = tpu.memref_slice %arg4[%add3A_40] : memref<33554432xf32, #tpu.memory_space<hbm>> -> memref<8192xf32, #tpu.memory_space<hbm>>
    tpu.wait_dma2 semaphore(%arg23 : memref<!tpu.dma_semaphore, #tpu.memory_space<semaphore_mem>>) src(%arg7 : memref<8192xf32, #tpu.memory_space<vmem>>) dst(%dma_wait3A_42 : memref<8192xf32, #tpu.memory_space<hbm>>)
    %add3A_43 = arith.constant 1040384 : i32
    %add3A_44 = arith.addi %mul3A_2, %add3A_43 : i32
    %dma_wait3A_45 = tpu.memref_slice %arg4[%add3A_44] : memref<33554432xf32, #tpu.memory_space<hbm>> -> memref<8192xf32, #tpu.memory_space<hbm>>
    %dma_wait3A_46 = tpu.memref_slice %arg4[%add3A_44] : memref<33554432xf32, #tpu.memory_space<hbm>> -> memref<8192xf32, #tpu.memory_space<hbm>>
    tpu.wait_dma2 semaphore(%arg24 : memref<!tpu.dma_semaphore, #tpu.memory_space<semaphore_mem>>) src(%arg8 : memref<8192xf32, #tpu.memory_space<vmem>>) dst(%dma_wait3A_46 : memref<8192xf32, #tpu.memory_space<hbm>>)
    return
  }
}

</mosaic_0001>

<sc_bundles>
// kernel: kernel.3.cloned.1.call-start
scs
__scs_entry_jumppad:
0x0: {  	(pc) =	sbr.rel $0x88, $3  }
0x1: {  	(tag) =	ssettag $0x0;
	lr =	simm.s32 $0x1  }
0x2: {  	[smem:$0x3F9F] =	sst lr;
	_ =	strace $0xD0000000  }
0x3: {  	_ = 	snop  }
0x4: {  	_ = 	snop  }
0x5: {  	_ = 	snop  }
0x6: {  	_ = 	snop  }
0x7: {  	_ = 	snop  }
__scs_overlays_trampoline_lowered:
0x8: {  	[smem:$0x3FAE] =	sst s0  }
0x9: {  	[smem:$0x3FAF] =	sst s1  }
0xa: {  	[smem:$0x3FB0] =	sst s2  }
0xb: {  	[smem:$0x3FB1] =	sst s3  }
0xc: {  	[smem:$0x3FB2] =	sst s4  }
0xd: {  	[smem:$0x3FB3] =	sst s5  }
0xe: {  	[smem:$0x3FB4] =	sst s6  }
0xf: {  	[smem:$0x3FB5] =	sst s7  }
0x10: {  	[smem:$0x3FB6] =	sst s8  }
0x11: {  	[smem:$0x3FB7] =	sst s9;
	s0 =	simm.s32 @!p0 $0x0  }
0x12: {  	s1 =	sld [smem:$0x3F9D];
	s0 =	simm.s32 @p0 $0x1  }
0x13: {  	[smem:$0x3FB8] =	sst s0;
	s0 =	simm.s32 @!p1 $0x0  }
0x14: {  	s2 =	sld [smem:$0x3F9C];
	s0 =	simm.s32 @p1 $0x1  }
0x15: {  	[smem:$0x3FB9] =	sst s0;
	s0 =	simm.s32 @!p2 $0x0  }
0x16: {  	s3 =	sld [smem:$0x3FDB];
	s0 =	simm.s32 @p2 $0x1  }
0x17: {  	s4 =	simm.s32 $0x1BF5;
	[smem:$0x3FBB] =	sst s0  }
0x18: {  	s0 =	sld [smem:$0x3F9E];
	_ =	swait.ge [sflag:s4], $0x0  }
0x19: {  	s7 =	sld [smem:$0x3F9F]  }
0x1a: {  	s8 =	sadd.s32 $0xFFFFE003, lr  }
0x1b: {  	s9 =	sadd.s32 $0xFFFFFEF7, lr;
	s5 =	simm.s32 $0xFFFFFFFF;
	p2 =	slt.u32 s8, $0xFFFFF086  }
0x1c: {  	p1 =	slt.u32 s9, $0xF7A;
	s5 =	simm.s32 @!p2 $0x0  }
0x1d: {  	s5 =	simm.s32 @p1 $0x1;
	p0 =	seq.s32 s7, s2  }
0x1e: {  	s7 =	smul.u32 @!p0 $0xF7A, s2;
	p2 =	seq.s32 @!p0 s5, $0x0  }
0x1f: {  	s9 =	smul.u32 $0xF7A, s1;
	s8 =	simm.s32 @!p0 $0x1BF5;
	p2 =	por !p2, p0  }
0x20: {  	[sflag:s8] =	ssyncset.s32 @!p0 $0xFFFFF086;
	s6 =	sadd.s32 @!p0 s3, s7;
	s7 =	simm.s32 @!p0 $0x108  }
0x21: {  	s3 =	sadd.s32 s3, s9;
	s6 =	sadd.s32 @!p0 $0x88, s6;
	s7 =	simm.s32 @p2 $0x1082  }
0x22: {  	[simem:s7], [sflag:s8] =	dma.local @!p0 [hbm:s6], $0xF7A  }
0x23: {  	s9 =	sor.u32 $0xD0000000, s2;
	s6 =	simm.s32 $0x108;
	_ =	swait.ge @!p0 [sflag:s8], $0x0  }
0x24: {  	s3 =	sadd.s32 $0x88, s3;
	s6 =	simm.s32 @!p1 $0x1082;
	[sflag:s4] =	ssyncset.s32 $0xFFFFF086  }
0x25: {  	[simem:s6], [sflag:s4] =	dma.local [hbm:s3], $0xF7A  }
0x26: {  	[smem:$0x3F9F] =	sst s1;
	(tag) =	ssettag s2;
	_ =	strace s9  }
0x27: {  	s1 =	sld [smem:$0x3FAF]  }
0x28: {  	s2 =	sld [smem:$0x3FB0]  }
0x29: {  	s4 =	sld [smem:$0x3FB2]  }
0x2a: {  	p0 =	seq.s32 s5, $0x0;
	s5 =	sld [smem:$0x3FB3]  }
0x2b: {  	s6 =	sld [smem:$0x3FB4]  }
0x2c: {  	s7 =	sld [smem:$0x3FB5]  }
0x2d: {  	s3 =	simm.s32 $0x108;
	s8 =	sld [smem:$0x3FB6]  }
0x2e: {  	s3 =	simm.s32 @!p0 $0x1082;
	s9 =	sld [smem:$0x3FB7]  }
0x2f: {  	lr =	sadd.s32 s0, s3;
	s0 =	sld [smem:$0x3FAE]  }
0x30: {  	s3 =	sld [smem:$0x3FB1]  }
0x31: {  	[smem:$0x3FBA] =	sst s10  }
0x32: {  	s10 =	sld [smem:$0x3FB8];
	_ =	sdelay $0x3  }
0x33: {  	p0 =	seq.s32 s10, $0x1;
	s10 =	sld [smem:$0x3FBA];
	_ =	sdelay $0x3  }
0x34: {  	[smem:$0x3FBA] =	sst s10  }
0x35: {  	s10 =	sld [smem:$0x3FB9];
	_ =	sdelay $0x3  }
0x36: {  	p1 =	seq.s32 s10, $0x1;
	s10 =	sld [smem:$0x3FBA];
	_ =	sdelay $0x3  }
0x37: {  	[smem:$0x3FBA] =	sst s10  }
0x38: {  	s10 =	sld [smem:$0x3FBB]  }
0x39: {  	_ = 	snop;
	(pc) =	sbr.ind lr, $3  }
0x3a: {  	_ = 	snop  }
0x3b: {  	_ = 	snop  }
0x3c: {  	p2 =	seq.s32 s10, $0x1;
	s10 =	sld [smem:$0x3FBA]  }
0x3d: {  	_ =	shalt  }
0x3e: {  	_ =	shalt  }
0x3f: {  	_ =	shalt  }
0x40: {  	_ =	shalt  }
0x41: {  	_ =	shalt  }
0x42: {  	_ =	shalt  }
0x43: {  	_ =	shalt  }
0x44: {  	_ =	shalt  }
0x45: {  	_ =	shalt  }
0x46: {  	_ =	shalt  }
0x47: {  	_ =	shalt  }
0x48: {  	_ =	shalt  }
0x49: {  	_ =	shalt  }
0x4a: {  	_ =	shalt  }
0x4b: {  	_ =	shalt  }
0x4c: {  	_ =	shalt  }
0x4d: {  	_ =	shalt  }
0x4e: {  	_ =	shalt  }
0x4f: {  	_ =	shalt  }
0x50: {  	_ =	shalt  }
0x51: {  	_ =	shalt  }
0x52: {  	_ =	shalt  }
0x53: {  	_ =	shalt  }
0x54: {  	_ =	shalt  }
0x55: {  	_ =	shalt  }
0x56: {  	_ =	shalt  }
0x57: {  	_ =	shalt  }
0x58: {  	_ =	shalt  }
0x59: {  	_ =	shalt  }
0x5a: {  	_ =	shalt  }
0x5b: {  	_ =	shalt  }
0x5c: {  	_ =	shalt  }
0x5d: {  	_ =	shalt  }
0x5e: {  	_ =	shalt  }
0x5f: {  	_ =	shalt  }
0x60: {  	_ =	shalt  }
0x61: {  	_ =	shalt  }
0x62: {  	_ =	shalt  }
0x63: {  	_ =	shalt  }
0x64: {  	_ =	shalt  }
0x65: {  	_ =	shalt  }
0x66: {  	_ =	shalt  }
0x67: {  	_ =	shalt  }
0x68: {  	_ =	shalt  }
0x69: {  	_ =	shalt  }
0x6a: {  	_ =	shalt  }
0x6b: {  	_ =	shalt  }
0x6c: {  	_ =	shalt  }
0x6d: {  	_ =	shalt  }
0x6e: {  	_ =	shalt  }
0x6f: {  	_ =	shalt  }
0x70: {  	_ =	shalt  }
0x71: {  	_ =	shalt  }
0x72: {  	_ =	shalt  }
0x73: {  	_ =	shalt  }
0x74: {  	_ =	shalt  }
0x75: {  	_ =	shalt  }
0x76: {  	_ =	shalt  }
0x77: {  	_ =	shalt  }
0x78: {  	_ =	shalt  }
0x79: {  	_ =	shalt  }
0x7a: {  	_ =	shalt  }
0x7b: {  	_ =	shalt  }
0x7c: {  	_ =	shalt  }
0x7d: {  	_ =	shalt  }
0x7e: {  	_ =	shalt  }
0x7f: {  	_ =	shalt  }
0x80: {  	_ =	shalt  }
0x81: {  	_ =	shalt  }
0x82: {  	_ =	shalt  }
0x83: {  	_ =	shalt  }
0x84: {  	_ =	shalt  }
0x85: {  	_ =	shalt  }
0x86: {  	_ =	shalt  }
0x87: {  	_ =	shalt  }
.Lfunc_end0:
.L_simem_size_0:
called_computation.2_lowered:
.L_overlay_start_0:
0x88: {  	s2 =	sld [smem:$0x3FD9]  }
0x89: {  	s3 =	sld [smem:$0x3FFE];
	_ =	sdelay $0x1  }
0x8a: {  	s1 =	srdreg.scid  }
0x8b: {  	s0 =	sand.u32 $0x1, s1  }
0x8c: {  	s17 =	sshll.u32 s0, $0xA;
	s2 =	sadd.s32 s3, s2  }
0x8d: {  	s2 =	sadd.s32 s2, s17  }
0x8e: {  	[smem:$0x3FC6] =	sst s2  }
0x8f: {  	_ = 	snop  }
0x90: {  	s2 =	sld [smem:$0x3FD0];
	(tm) =	ssettm $0x1  }
0x91: {  	s18 =	sld [smem:$0x3FFB];
	_ =	sdelay $0x3  }
0x92: {  	_ =	strace s18  }
0x93: {  	s3 =	sld [smem:$0x3FFC];
	_ =	sdelay $0x3  }
0x94: {  	_ =	strace s3  }
0x95: {  	s3 =	sld [smem:$0x3FFD];
	_ =	sdelay $0x3  }
0x96: {  	_ =	strace s3  }
0x97: {  	_ =	strace $0x8FFFFFFF  }
0x98: {  	s19 =	sld [smem:$0x3FDB];
	_ =	sdelay $0x1  }
0x99: {  	s4 =	simm.s32 $_scs_section_size  }
0x9a: {  	s5 =	simm.s32 $_size__tile_overlayer_lowered;
	s6 =	simm.s32 $_tile_overlayer_lowered  }
0x9b: {  	s22 =	simm.s32 $0x1BFF;
	s21 =	sshll.u32 s6, $0x1;
	s3 =	sadd.s32 s4, s19  }
0x9c: {  	s7 =	simm.s32 $0x0;
	s20 =	sshll.u32 s5, $0x1;
	s5 =	sadd.s32 s21, s3  }
0x9d: {  	[timem:s7], [sflag:s22] =	dma.local [hbm:s5], s20  }
0x9e: {  	_ =	swait.ge [sflag:s22], s20  }
0x9f: {  	s4 =	ssub.s32 $0x0, s20;
	[sflag:s22] =	ssyncset.done $0x0  }
0xa0: {  	[sflag:s22] =	ssyncadd.s32 s4;
	_ =	sdelay $0x1  }
0xa1: {  	s23 =	simm.s32 $0x1B8B  }
0xa2: {  	_ =	swait.ge [sflag:s23], $0x1  }
0xa3: {  	[sflag:s23] =	ssyncset.done $0x0  }
0xa4: {  	s25 =	simm.s32 $0x1B8E;
	s24 =	sld [smem:$0x3FFE];
	[sflag:s23] =	ssyncadd.s32 $0xFFFFFFFF  }
0xa5: {  	s26 =	simm.s32 $execute0_lowered;
	[smem:$0x3FD2] =	sst s25  }
0xa6: {  	s5 =	sshll.u32 s26, $0x1;
	_ =	strace $0x8000004C;
	[dreg:$0x1] =	wrdreg $0xFFFFFFFF  }
0xa7: {  	s28 =	simm.s32 $_size_execute0_lowered;
	s3 =	sadd.s32 s3, s5;
	[dreg:$0x0] =	wrdreg $0x0  }
0xa8: {  	s5 =	sshll.u32 s28, $0x1;
	[dreg:$0x2] =	wrdreg s3  }
0xa9: {  	[dreg:$0x3] =	wrdreg s5  }
0xaa: {  	[dreg:$0x4] =	wrdreg $0xC0  }
0xab: {  	_ =	task [dreg:s7], $0x5FFFF  }
0xac: {  	[dreg:$0x1] =	wrdreg $0xFFFFFFFF  }
0xad: {  	[dreg:$0x0] =	wrdreg $0x60  }
0xae: {  	[dreg:$0x2] =	wrdreg s2  }
0xaf: {  	[dreg:$0x3] =	wrdreg s24  }
0xb0: {  	[dreg:$0x4] =	wrdreg $0x9  }
0xb1: {  	_ =	task.clear_ibuf [dreg:s7], $0x5FFFF;
	_ =	strace $0x9000004C  }
0xb2: {  	s29 =	simm.s32 $0x9;
	_ =	strace $0x8000004E  }
0xb3: {  	_ =	swait.ge [sflag:s29], $0x1  }
0xb4: {  	[sflag:s29] =	ssyncadd.s32 $0xFFFFFFFF  }
0xb5: {  	_ =	strace $0x9000004E  }
0xb6: {  	_ =	sfence  }
0xb7: {  	s30 =	sld [smem:$0x0];
	_ =	sdelay $0x2  }
0xb8: {  	s31 =	sshll.u32 s1, $0xD;
	s1 =	sshrl.u32 s1, $0x2  }
0xb9: {  	s3 =	sand.u32 $0x4000, s31;
	s1 =	sadd.s32 s1, s30  }
0xba: {  	s0 =	sor.u32 s3, s0;
	s1 =	sshll.u32 s1, $0x11  }
0xbb: {  	s0 =	sor.u32 s1, s0  }
0xbc: {  	s0 =	sadd.s32 $0x8F2B, s0  }
0xbd: {  	[sflag:s0] =	ssyncadd.remote.s32 $0x1  }
0xbe: {  	_ =	sfence.sel $0xFFFF  }
0xbf: {  	[dreg:$0x0] =	wrdreg $0xFFFFFFFF;
	(pc) =	sbr.abs _section_cstart, $3  }
0xc0: {  	[dreg:$0x1] =	wrdreg $0xFFFFFFFF  }
0xc1: {  	_ =	task.clear_ibuf [dreg:s7], $0x2FFFF;
	_ =	strace $0x9FFFFFFF  }
0xc2: {  	(tm) =	ssettm $0x7FFFFFFF  }
0xc3: {  	_ =	shalt  }
tec
execute0_lowered:
.L_overlay_start_1:
0x0: {  	(tag) =	ssettag $0x1  }
0x1: {  	s1 =	rddreg [dreg:$0x0]  }
0x2: {  	s0 =	rddreg [dreg:$0x1]  }
0x3: {  	s3 =	simm.s32 $0x0;
	s2 =	srdreg.scid;
	s4 =	stileid.u32  }
0x4: {  	s16 =	simm.s32 $0x2000;
	s18 =	simm.s32 $0x4000;
	s20 =	simm.s32 $0x6000  }
0x5: {  	s28 =	simm.s32 $0x7;
	s29 =	simm.s32 $0x4;
	s30 =	simm.s32 $0x8  }
0x6: {  	s31 =	simm.s32 $0x9;
	s15 =	simm.s32 $0xC;
	s17 =	simm.s32 $0x0  }
0x7: {  	[smem:$0x7FF] =	sst s3;
	s2 =	sand.u32 $0x1, s2;
	s6 =	sshll.u32 s4, $0x15  }
0x8: {  	s4 =	sadd.s32 $0xC00, s0;
	s5 =	sadd.s32 $0x100C00, s0;
	s7 =	sshll.u32 s2, $0x14  }
0x9: {  	_ =	strace $0x8000004D;
	s21 =	ssub.s32 $0x2, s2;
	s6 =	sor.u32 s7, s6  }
0xa: {  	s8 =	sshrl.u32 s21, $0x1;
	s7 =	sand.u32 $0x700000, s6;
	s22 =	sshrl.u32 s6, $0x3  }
0xb: {  	s0 =	ssub.s32 s21, s8;
	s21 =	simm.s32 $0xE000;
	s9 =	sadd.s32 s1, s22  }
0xc: {  	s23 =	sshrl.u32 s7, $0x3;
	s0 =	smax.u32 s0, $0x1;
	[dreg:$0x3] =	wrdreg s9  }
0xd: {  	s22 =	simm.s32 $0x1;
	s24 =	sadd.s32 $0x400, s9;
	[dreg:$0x9] =	wrdreg s0  }
0xe: {  	s2 =	sadd.s32 s4, s23;
	s26 =	sadd.s32 $0x800, s9;
	[dreg:$0x5] =	wrdreg s24  }
0xf: {  	s23 =	simm.s32 $0x5;
	s0 =	simm.s32 $0xA;
	[dreg:$0x7] =	wrdreg s26  }
0x10: {  	s25 =	sadd.s32 $0x400, s2;
	[dreg:$0x4] =	wrdreg s2;
	s2 =	sadd.s32 $0x800, s2  }
0x11: {  	s24 =	simm.s32 $0x2;
	s26 =	simm.s32 $0x3;
	[dreg:$0x6] =	wrdreg s25  }
0x12: {  	[dreg:$0x8] =	wrdreg s2;
	s25 =	simm.s32 $0x6;
	s2 =	simm.s32 $0xB  }
.LBB2_1:
0x13: {  	s8 =	rddreg [dreg:$0x3]  }
0x14: {  	[tilespmem:s3], [sflag:$0x1] =	stream.linear.gather [hbm4b:s8+s3], $0x2000, $0x38;
	[tilespmem:$0x10000] =	vst v63  }
0x15: {  	s19 =	rddreg [dreg:$0x4];
	s9 =	simm.s32 $0x8000  }
0x16: {  	[tilespmem:s9], [sflag:$0x5] =	stream.linear.gather [hbm4b:s19+s3], $0x2000, $0x38;
	[tilespmem:$0x10000] =	vst v63  }
0x17: {  	s10 =	rddreg [dreg:$0x5]  }
0x18: {  	[tilespmem:s16], [sflag:$0x2] =	stream.linear.gather [hbm4b:s10+s3], $0x2000, $0x38;
	[tilespmem:$0x10000] =	vst v63  }
0x19: {  	s11 =	rddreg [dreg:$0x6];
	s12 =	simm.s32 $0xA000  }
0x1a: {  	[tilespmem:s12], [sflag:$0x6] =	stream.linear.gather [hbm4b:s11+s3], $0x2000, $0x38;
	[tilespmem:$0x10000] =	vst v63  }
0x1b: {  	s13 =	rddreg [dreg:$0x7]  }
0x1c: {  	[tilespmem:s18], [sflag:$0x3] =	stream.linear.gather [hbm4b:s13+s3], $0x2000, $0x38;
	[tilespmem:$0x10000] =	vst v63  }
0x1d: {  	s14 =	rddreg [dreg:$0x8];
	s19 =	simm.s32 $0xC000  }
0x1e: {  	[tilespmem:s19], [sflag:$0x7] =	stream.linear.gather [hbm4b:s14+s3], $0x2000, $0x38;
	[tilespmem:$0x10000] =	vst v63  }
0x1f: {  	s19 =	simm.s32 $0x0  }
.LBB2_2:
0x20: {  	p0 =	seq.s32 s19, $0x0;
	s11 =	sshll.u32 s19, $0xF  }
0x21: {  	s8 =	simm.s32 @!p0 $0xC;
	s12 =	sor.u32 $0x6000, s11  }
0x22: {  	s13 =	simm.s32 $0x0;
	_ =	swait.ge @!p0 [sflag:s8], $0x2000;
	s10 =	sor.u32 s6, s12  }
0x23: {  	s9 =	sor.u32 s7, s12;
	[sflag:s8] =	ssyncset.done @!p0 $0x0;
	s10 =	sshrl.u32 s10, $0x3  }
0x24: {  	[sflag:s8] =	ssyncadd.s32 @!p0 $0xFFFFE000;
	s14 =	sadd.s32 s1, s10;
	s8 =	sshrl.u32 s9, $0x3  }
0x25: {  	[tilespmem:s20], [sflag:$0x4] =	stream.linear.gather [hbm4b:s14+s13], $0x2000, $0x38;
	[tilespmem:$0x10000] =	vst v63  }
0x26: {  	s8 =	sadd.s32 s4, s8  }
0x27: {  	[tilespmem:s21], [sflag:$0x8] =	stream.linear.gather [hbm4b:s8+s13], $0x2000, $0x38;
	[tilespmem:$0x10000] =	vst v63  }
0x28: {  	_ =	swait.ge [sflag:s22], $0x2000  }
0x29: {  	[sflag:s22] =	ssyncset.done $0x0  }
0x2a: {  	[sflag:s22] =	ssyncadd.s32 $0xFFFFE000  }
0x2b: {  	_ =	swait.ge [sflag:s23], $0x2000  }
0x2c: {  	[sflag:s23] =	ssyncset.done $0x0  }
0x2d: {  	s13 =	simm.s32 $0x0;
	[sflag:s23] =	ssyncadd.s32 $0xFFFFE000  }
0x2e: {  	v0 =	vld [tilespmem:s13+$0x8070]  }
0x2f: {  	v1 =	vld [tilespmem:s13+$0x8000]  }
0x30: {  	v2 =	vld [tilespmem:s13+$0x8010]  }
0x31: {  	v3 =	vld [tilespmem:s13+$0x8020]  }
0x32: {  	v4 =	vld [tilespmem:s13+$0x8030]  }
0x33: {  	v5 =	vld [tilespmem:s13+$0x8040]  }
0x34: {  	v6 =	vld [tilespmem:s13+$0x8050]  }
0x35: {  	[tilespmem:s13+$0x70] =	vst.add.f32.msk $0xffff, v0  }
0x36: {  	v0 =	vld [tilespmem:s13+$0x8060]  }
0x37: {  	[tilespmem:s13+$0x0] =	vst.add.f32.msk $0xffff, v1  }
0x38: {  	[tilespmem:s13+$0x10] =	vst.add.f32.msk $0xffff, v2  }
0x39: {  	[tilespmem:s13+$0x20] =	vst.add.f32.msk $0xffff, v3  }
0x3a: {  	[tilespmem:s13+$0x30] =	vst.add.f32.msk $0xffff, v4  }
0x3b: {  	[tilespmem:s13+$0x40] =	vst.add.f32.msk $0xffff, v5  }
0x3c: {  	s12 =	simm.s32 $0x0;
	s14 =	simm.s32 $0x200;
	[tilespmem:s13+$0x50] =	vst.add.f32.msk $0xffff, v6  }
.LBB2_3:
0x3d: {  	s12 =	sadd.s32 $0x8, s12;
	[tilespmem:s13+$0x60] =	vst.add.f32.msk $0xffff, v0;
	s13 =	sshra.s32 s14, $0x2  }
0x3e: {  	v0 =	vld [tilespmem:s13+$0x8070];
	p0 =	slt.u32 s12, $0x1F8  }
0x3f: {  	v1 =	vld [tilespmem:s13+$0x8000]  }
0x40: {  	v2 =	vld [tilespmem:s13+$0x8010]  }
0x41: {  	v3 =	vld [tilespmem:s13+$0x8020]  }
0x42: {  	v4 =	vld [tilespmem:s13+$0x8030]  }
0x43: {  	[tilespmem:s13+$0x70] =	vst.add.f32.msk $0xffff, v0  }
0x44: {  	v5 =	vld [tilespmem:s13+$0x8040]  }
0x45: {  	v6 =	vld [tilespmem:s13+$0x8050]  }
0x46: {  	v0 =	vld [tilespmem:s13+$0x8060]  }
0x47: {  	[tilespmem:s13+$0x0] =	vst.add.f32.msk $0xffff, v1  }
.Ltmp0:
0x48: {  	[tilespmem:s13+$0x10] =	vst.add.f32.msk $0xffff, v2;
	(pc) =	sbr.rel @p0 .LBB2_3-.Ltmp0, $4  }
0x49: {  	[tilespmem:s13+$0x20] =	vst.add.f32.msk $0xffff, v3  }
0x4a: {  	[tilespmem:s13+$0x30] =	vst.add.f32.msk $0xffff, v4  }
0x4b: {  	[tilespmem:s13+$0x40] =	vst.add.f32.msk $0xffff, v5  }
0x4c: {  	s14 =	sadd.s32 $0x200, s14;
	[tilespmem:s13+$0x50] =	vst.add.f32.msk $0xffff, v6  }
0x4d: {  	s8 =	sor.u32 s6, s11  }
0x4e: {  	s12 =	sshrl.u32 s8, $0x3  }
0x4f: {  	[tilespmem:s13+$0x60] =	vst.add.f32.msk $0xffff, v0;
	p0 =	seq.s32 s19, $0x1F;
	s8 =	sadd.s32 s5, s12  }
0x50: {  	[hbm4b:s8+s3] =	stream.linear.scatter [tilespmem:s3], [sflag:$0x9], $0x2000, $0x38;
	[tilespmem:$0x10000] =	vst v63  }
0x51: {  	s8 =	simm.s32 @!p0 $0x9  }
0x52: {  	s13 =	sadd.s32 @!p0 $0x8000, s11;
	_ =	swait.ge @!p0 [sflag:s8], $0x2000  }
0x53: {  	s14 =	sadd.s32 @!p0 s6, s13;
	[sflag:s8] =	ssyncset.done @!p0 $0x0  }
0x54: {  	[sflag:s8] =	ssyncadd.s32 @!p0 $0xFFFFE000;
	s8 =	sshrl.u32 @!p0 s14, $0x3  }
0x55: {  	s13 =	sadd.s32 @!p0 s7, s13;
	s14 =	simm.s32 @!p0 $0x0;
	s8 =	sadd.s32 @!p0 s1, s8  }
0x56: {  	[tilespmem:s14], [sflag:$0x1] =	stream.linear.gather @!p0 [hbm4b:s8+s14], $0x2000, $0x38;
	[tilespmem:$0x10000] =	vst v63  }
0x57: {  	s8 =	sshrl.u32 @!p0 s13, $0x3  }
0x58: {  	s13 =	simm.s32 @!p0 $0x8000;
	s8 =	sadd.s32 @!p0 s4, s8  }
0x59: {  	[tilespmem:s13], [sflag:$0x5] =	stream.linear.gather @!p0 [hbm4b:s8+s14], $0x2000, $0x38;
	[tilespmem:$0x10000] =	vst v63  }
0x5a: {  	_ =	swait.ge [sflag:s24], $0x2000  }
0x5b: {  	[sflag:s24] =	ssyncset.done $0x0  }
0x5c: {  	[sflag:s24] =	ssyncadd.s32 $0xFFFFE000  }
0x5d: {  	_ =	swait.ge [sflag:s25], $0x2000  }
0x5e: {  	[sflag:s25] =	ssyncset.done $0x0  }
0x5f: {  	s13 =	simm.s32 $0x0;
	[sflag:s25] =	ssyncadd.s32 $0xFFFFE000  }
0x60: {  	v0 =	vld [tilespmem:s13+$0xA070]  }
0x61: {  	v1 =	vld [tilespmem:s13+$0xA000]  }
0x62: {  	v2 =	vld [tilespmem:s13+$0xA010]  }
0x63: {  	v3 =	vld [tilespmem:s13+$0xA020]  }
0x64: {  	v4 =	vld [tilespmem:s13+$0xA030]  }
0x65: {  	v5 =	vld [tilespmem:s13+$0xA040]  }
0x66: {  	v6 =	vld [tilespmem:s13+$0xA050]  }
0x67: {  	[tilespmem:s13+$0x2070] =	vst.add.f32.msk $0xffff, v0  }
0x68: {  	v0 =	vld [tilespmem:s13+$0xA060]  }
0x69: {  	[tilespmem:s13+$0x2000] =	vst.add.f32.msk $0xffff, v1  }
0x6a: {  	[tilespmem:s13+$0x2010] =	vst.add.f32.msk $0xffff, v2  }
0x6b: {  	[tilespmem:s13+$0x2020] =	vst.add.f32.msk $0xffff, v3  }
0x6c: {  	[tilespmem:s13+$0x2030] =	vst.add.f32.msk $0xffff, v4  }
0x6d: {  	[tilespmem:s13+$0x2040] =	vst.add.f32.msk $0xffff, v5  }
0x6e: {  	s14 =	simm.s32 $0x0;
	s8 =	simm.s32 $0x200;
	[tilespmem:s13+$0x2050] =	vst.add.f32.msk $0xffff, v6  }
.LBB2_5:
0x6f: {  	s14 =	sadd.s32 $0x8, s14;
	[tilespmem:s13+$0x2060] =	vst.add.f32.msk $0xffff, v0;
	s13 =	sshra.s32 s8, $0x2  }
0x70: {  	v0 =	vld [tilespmem:s13+$0xA070];
	p1 =	slt.u32 s14, $0x1F8  }
0x71: {  	v1 =	vld [tilespmem:s13+$0xA000]  }
0x72: {  	v2 =	vld [tilespmem:s13+$0xA010]  }
0x73: {  	v3 =	vld [tilespmem:s13+$0xA020]  }
0x74: {  	v4 =	vld [tilespmem:s13+$0xA030]  }
0x75: {  	[tilespmem:s13+$0x2070] =	vst.add.f32.msk $0xffff, v0  }
0x76: {  	v5 =	vld [tilespmem:s13+$0xA040]  }
0x77: {  	v6 =	vld [tilespmem:s13+$0xA050]  }
0x78: {  	v0 =	vld [tilespmem:s13+$0xA060]  }
0x79: {  	[tilespmem:s13+$0x2000] =	vst.add.f32.msk $0xffff, v1  }
.Ltmp1:
0x7a: {  	[tilespmem:s13+$0x2010] =	vst.add.f32.msk $0xffff, v2;
	(pc) =	sbr.rel @p1 .LBB2_5-.Ltmp1, $4  }
0x7b: {  	[tilespmem:s13+$0x2020] =	vst.add.f32.msk $0xffff, v3  }
0x7c: {  	[tilespmem:s13+$0x2030] =	vst.add.f32.msk $0xffff, v4  }
0x7d: {  	[tilespmem:s13+$0x2040] =	vst.add.f32.msk $0xffff, v5  }
0x7e: {  	s8 =	sadd.s32 $0x200, s8;
	[tilespmem:s13+$0x2050] =	vst.add.f32.msk $0xffff, v6  }
0x7f: {  	s12 =	sadd.s32 s12, s5  }
0x80: {  	[tilespmem:s13+$0x2060] =	vst.add.f32.msk $0xffff, v0;
	s8 =	sadd.s32 $0x400, s12  }
0x81: {  	[hbm4b:s8+s3] =	stream.linear.scatter [tilespmem:s16], [sflag:$0xA], $0x2000, $0x38;
	[tilespmem:$0x10000] =	vst v63  }
0x82: {  	s8 =	simm.s32 @!p0 $0xA  }
0x83: {  	s13 =	sadd.s32 @!p0 $0xA000, s11;
	_ =	swait.ge @!p0 [sflag:s8], $0x2000  }
0x84: {  	s9 =	simm.s32 @!p0 $0x2000;
	s14 =	sadd.s32 @!p0 s6, s13;
	[sflag:s8] =	ssyncset.done @!p0 $0x0  }
0x85: {  	[sflag:s8] =	ssyncadd.s32 @!p0 $0xFFFFE000;
	s8 =	sadd.s32 @!p0 s7, s13;
	s13 =	sshrl.u32 @!p0 s14, $0x3  }
0x86: {  	s14 =	simm.s32 @!p0 $0x0;
	s13 =	sadd.s32 @!p0 s1, s13;
	s8 =	sshrl.u32 @!p0 s8, $0x3  }
0x87: {  	[tilespmem:s9], [sflag:$0x2] =	stream.linear.gather @!p0 [hbm4b:s13+s14], $0x2000, $0x38;
	[tilespmem:$0x10000] =	vst v63  }
0x88: {  	s8 =	sadd.s32 @!p0 s4, s8;
	s9 =	simm.s32 @!p0 $0xA000  }
0x89: {  	[tilespmem:s9], [sflag:$0x6] =	stream.linear.gather @!p0 [hbm4b:s8+s14], $0x2000, $0x38;
	[tilespmem:$0x10000] =	vst v63  }
0x8a: {  	_ =	swait.ge [sflag:s26], $0x2000  }
0x8b: {  	[sflag:s26] =	ssyncset.done $0x0  }
0x8c: {  	[sflag:s26] =	ssyncadd.s32 $0xFFFFE000  }
0x8d: {  	_ =	swait.ge [sflag:s28], $0x2000  }
0x8e: {  	[sflag:s28] =	ssyncset.done $0x0  }
0x8f: {  	s13 =	simm.s32 $0x0;
	[sflag:s28] =	ssyncadd.s32 $0xFFFFE000  }
0x90: {  	v0 =	vld [tilespmem:s13+$0xC070]  }
0x91: {  	v1 =	vld [tilespmem:s13+$0xC000]  }
0x92: {  	v2 =	vld [tilespmem:s13+$0xC010]  }
0x93: {  	v3 =	vld [tilespmem:s13+$0xC020]  }
0x94: {  	v4 =	vld [tilespmem:s13+$0xC030]  }
0x95: {  	v5 =	vld [tilespmem:s13+$0xC040]  }
0x96: {  	v6 =	vld [tilespmem:s13+$0xC050]  }
0x97: {  	[tilespmem:s13+$0x4070] =	vst.add.f32.msk $0xffff, v0  }
0x98: {  	v0 =	vld [tilespmem:s13+$0xC060]  }
0x99: {  	[tilespmem:s13+$0x4000] =	vst.add.f32.msk $0xffff, v1  }
0x9a: {  	[tilespmem:s13+$0x4010] =	vst.add.f32.msk $0xffff, v2  }
0x9b: {  	[tilespmem:s13+$0x4020] =	vst.add.f32.msk $0xffff, v3  }
0x9c: {  	[tilespmem:s13+$0x4030] =	vst.add.f32.msk $0xffff, v4  }
0x9d: {  	[tilespmem:s13+$0x4040] =	vst.add.f32.msk $0xffff, v5  }
0x9e: {  	s14 =	simm.s32 $0x0;
	s8 =	simm.s32 $0x200;
	[tilespmem:s13+$0x4050] =	vst.add.f32.msk $0xffff, v6  }
.LBB2_7:
0x9f: {  	s14 =	sadd.s32 $0x8, s14;
	[tilespmem:s13+$0x4060] =	vst.add.f32.msk $0xffff, v0;
	s13 =	sshra.s32 s8, $0x2  }
0xa0: {  	v0 =	vld [tilespmem:s13+$0xC070];
	p1 =	slt.u32 s14, $0x1F8  }
0xa1: {  	v1 =	vld [tilespmem:s13+$0xC000]  }
0xa2: {  	v2 =	vld [tilespmem:s13+$0xC010]  }
0xa3: {  	v3 =	vld [tilespmem:s13+$0xC020]  }
0xa4: {  	v4 =	vld [tilespmem:s13+$0xC030]  }
0xa5: {  	[tilespmem:s13+$0x4070] =	vst.add.f32.msk $0xffff, v0  }
0xa6: {  	v5 =	vld [tilespmem:s13+$0xC040]  }
0xa7: {  	v6 =	vld [tilespmem:s13+$0xC050]  }
0xa8: {  	v0 =	vld [tilespmem:s13+$0xC060]  }
0xa9: {  	[tilespmem:s13+$0x4000] =	vst.add.f32.msk $0xffff, v1  }
.Ltmp2:
0xaa: {  	[tilespmem:s13+$0x4010] =	vst.add.f32.msk $0xffff, v2;
	(pc) =	sbr.rel @p1 .LBB2_7-.Ltmp2, $4  }
0xab: {  	[tilespmem:s13+$0x4020] =	vst.add.f32.msk $0xffff, v3  }
0xac: {  	[tilespmem:s13+$0x4030] =	vst.add.f32.msk $0xffff, v4  }
0xad: {  	[tilespmem:s13+$0x4040] =	vst.add.f32.msk $0xffff, v5  }
0xae: {  	s8 =	sadd.s32 $0x200, s8;
	[tilespmem:s13+$0x4050] =	vst.add.f32.msk $0xffff, v6  }
0xaf: {  	[tilespmem:s13+$0x4060] =	vst.add.f32.msk $0xffff, v0;
	s8 =	sadd.s32 $0x800, s12  }
0xb0: {  	[hbm4b:s8+s3] =	stream.linear.scatter [tilespmem:s18], [sflag:$0xB], $0x2000, $0x38;
	[tilespmem:$0x10000] =	vst v63  }
0xb1: {  	s8 =	simm.s32 @!p0 $0xB  }
0xb2: {  	s9 =	sadd.s32 @!p0 $0xC000, s11;
	_ =	swait.ge @!p0 [sflag:s8], $0x2000  }
0xb3: {  	s12 =	simm.s32 @!p0 $0x4000;
	s11 =	sadd.s32 @!p0 s6, s9;
	[sflag:s8] =	ssyncset.done @!p0 $0x0  }
0xb4: {  	[sflag:s8] =	ssyncadd.s32 @!p0 $0xFFFFE000;
	s8 =	sadd.s32 @!p0 s7, s9;
	s9 =	sshrl.u32 @!p0 s11, $0x3  }
0xb5: {  	s11 =	simm.s32 @!p0 $0x0;
	s9 =	sadd.s32 @!p0 s1, s9;
	s8 =	sshrl.u32 @!p0 s8, $0x3  }
0xb6: {  	[tilespmem:s12], [sflag:$0x3] =	stream.linear.gather @!p0 [hbm4b:s9+s11], $0x2000, $0x38;
	[tilespmem:$0x10000] =	vst v63  }
0xb7: {  	s8 =	sadd.s32 @!p0 s4, s8;
	s9 =	simm.s32 @!p0 $0xC000  }
0xb8: {  	[tilespmem:s9], [sflag:$0x7] =	stream.linear.gather @!p0 [hbm4b:s8+s11], $0x2000, $0x38;
	[tilespmem:$0x10000] =	vst v63  }
0xb9: {  	_ =	swait.ge [sflag:s29], $0x2000  }
0xba: {  	[sflag:s29] =	ssyncset.done $0x0  }
0xbb: {  	[sflag:s29] =	ssyncadd.s32 $0xFFFFE000  }
0xbc: {  	_ =	swait.ge [sflag:s30], $0x2000  }
0xbd: {  	[sflag:s30] =	ssyncset.done $0x0  }
0xbe: {  	s11 =	simm.s32 $0x0;
	[sflag:s30] =	ssyncadd.s32 $0xFFFFE000  }
0xbf: {  	v0 =	vld [tilespmem:s11+$0xE070]  }
0xc0: {  	v1 =	vld [tilespmem:s11+$0xE000]  }
0xc1: {  	v2 =	vld [tilespmem:s11+$0xE010]  }
0xc2: {  	v3 =	vld [tilespmem:s11+$0xE020]  }
0xc3: {  	v4 =	vld [tilespmem:s11+$0xE030]  }
0xc4: {  	v5 =	vld [tilespmem:s11+$0xE040]  }
0xc5: {  	v6 =	vld [tilespmem:s11+$0xE050]  }
0xc6: {  	[tilespmem:s11+$0x6070] =	vst.add.f32.msk $0xffff, v0  }
0xc7: {  	v0 =	vld [tilespmem:s11+$0xE060]  }
0xc8: {  	[tilespmem:s11+$0x6000] =	vst.add.f32.msk $0xffff, v1  }
0xc9: {  	[tilespmem:s11+$0x6010] =	vst.add.f32.msk $0xffff, v2  }
0xca: {  	[tilespmem:s11+$0x6020] =	vst.add.f32.msk $0xffff, v3  }
0xcb: {  	[tilespmem:s11+$0x6030] =	vst.add.f32.msk $0xffff, v4  }
0xcc: {  	[tilespmem:s11+$0x6040] =	vst.add.f32.msk $0xffff, v5  }
0xcd: {  	s12 =	simm.s32 $0x0;
	s8 =	simm.s32 $0x200;
	[tilespmem:s11+$0x6050] =	vst.add.f32.msk $0xffff, v6  }
.LBB2_9:
0xce: {  	s12 =	sadd.s32 $0x8, s12;
	[tilespmem:s11+$0x6060] =	vst.add.f32.msk $0xffff, v0;
	s11 =	sshra.s32 s8, $0x2  }
0xcf: {  	v0 =	vld [tilespmem:s11+$0xE070];
	p0 =	slt.u32 s12, $0x1F8  }
0xd0: {  	v1 =	vld [tilespmem:s11+$0xE000]  }
0xd1: {  	v2 =	vld [tilespmem:s11+$0xE010]  }
0xd2: {  	v3 =	vld [tilespmem:s11+$0xE020]  }
0xd3: {  	v4 =	vld [tilespmem:s11+$0xE030]  }
0xd4: {  	[tilespmem:s11+$0x6070] =	vst.add.f32.msk $0xffff, v0  }
0xd5: {  	v5 =	vld [tilespmem:s11+$0xE040]  }
0xd6: {  	v6 =	vld [tilespmem:s11+$0xE050]  }
0xd7: {  	v0 =	vld [tilespmem:s11+$0xE060]  }
0xd8: {  	[tilespmem:s11+$0x6000] =	vst.add.f32.msk $0xffff, v1  }
.Ltmp3:
0xd9: {  	[tilespmem:s11+$0x6010] =	vst.add.f32.msk $0xffff, v2;
	(pc) =	sbr.rel @p0 .LBB2_9-.Ltmp3, $4  }
0xda: {  	[tilespmem:s11+$0x6020] =	vst.add.f32.msk $0xffff, v3  }
0xdb: {  	[tilespmem:s11+$0x6030] =	vst.add.f32.msk $0xffff, v4  }
0xdc: {  	[tilespmem:s11+$0x6040] =	vst.add.f32.msk $0xffff, v5  }
0xdd: {  	s8 =	sadd.s32 $0x200, s8;
	[tilespmem:s11+$0x6050] =	vst.add.f32.msk $0xffff, v6  }
0xde: {  	s19 =	sadd.s32 $0x1, s19  }
0xdf: {  	p0 =	sne.s32 s19, $0x20  }
.Ltmp4:
0xe0: {  	_ = 	snop;
	(pc) =	sbr.rel @p0 .LBB2_2-.Ltmp4, $3  }
0xe1: {  	_ =	sdelay $0x1  }
0xe2: {  	[tilespmem:s11+$0x6060] =	vst.add.f32.msk $0xffff, v0;
	s8 =	sadd.s32 s5, s10  }
0xe3: {  	[hbm4b:s8+s3] =	stream.linear.scatter [tilespmem:s20], [sflag:$0xC], $0x2000, $0x38;
	[tilespmem:$0x10000] =	vst v63  }
0xe4: {  	_ =	swait.ge [sflag:s31], $0x2000  }
0xe5: {  	[sflag:s31] =	ssyncset.done $0x0  }
0xe6: {  	[sflag:s31] =	ssyncadd.s32 $0xFFFFE000  }
0xe7: {  	_ =	swait.ge [sflag:s0], $0x2000  }
0xe8: {  	[sflag:s0] =	ssyncset.done $0x0  }
0xe9: {  	[sflag:s0] =	ssyncadd.s32 $0xFFFFE000  }
0xea: {  	_ =	swait.ge [sflag:s2], $0x2000  }
0xeb: {  	[sflag:s2] =	ssyncset.done $0x0  }
0xec: {  	[sflag:s2] =	ssyncadd.s32 $0xFFFFE000  }
0xed: {  	_ =	swait.ge [sflag:s15], $0x2000  }
0xee: {  	s17 =	sadd.s32 $0x1, s17;
	s8 =	rddreg [dreg:$0x9]  }
0xef: {  	p0 =	sne.s32 s17, s8  }
.Ltmp5:
0xf0: {  	_ = 	snop;
	(pc) =	sbr.rel @p0 .LBB2_1-.Ltmp5, $3  }
0xf1: {  	_ =	sdelay $0x1  }
0xf2: {  	[sflag:s15] =	ssyncset.done $0x0  }
0xf3: {  	[sflag:s15] =	ssyncadd.s32 $0xFFFFE000  }
0xf4: {  	_ =	sfence.sel $0x180000  }
0xf5: {  	[bflag:$0x0] =	sbarrier.arrive $0xFFFF  }
0xf6: {  	_ =	strace $0x9000004D  }
0xf7: {  	s0 =	stileid.u32;
	[bflag:$0x2] =	sbarrier.arrive $0xFFFF  }
0xf8: {  	p0 =	sne.s32 s0, $0x0;
	s0 =	rddreg [dreg:$0x2]  }
0xf9: {  	s0 =	sadd.s32 @!p0 $0x100000, s0  }
0xfa: {  	[sflag:s0] =	ssyncadd.tile.s32 @!p0 $0x1;
	_ =	shalt  }
.Lfunc_end2:
_tile_overlayer_lowered:
.L_overlay_start_2:
0xfb: {  	(tag) =	ssettag $0x2  }
0xfc: {  	s0 =	rddreg [dreg:$0x0];
	s2 =	stileid.u32  }
0xfd: {  	s1 =	rddreg [dreg:$0x1];
	p0 =	sne.s32 s2, $0x0  }
0xfe: {  	s3 =	rddreg [dreg:$0x2];
	[bflag:$0x3] =	sbarrier.arrive $0xFFFF;
	s2 =	simm.s32 @!p0 $0x1C0D  }
0xff: {  	[timem:s3], [sflag:s2] =	dma.local @!p0 [hbm:s0], s1  }
0x100: {  	s0 =	simm.s32 @!p0 $0xD  }
0x101: {  	_ =	swait.ge @!p0 [sflag:s0], s1  }
0x102: {  	s1 =	ssub.s32 @!p0 $0x0, s1;
	[sflag:s0] =	ssyncset.done @!p0 $0x0  }
0x103: {  	[sflag:s0] =	ssyncadd.s32 @!p0 s1  }
0x104: {  	[bflag:$0x3] =	sbarrier.arrive $0xFFFF  }
0x105: {  	_ =	shalt  }

// kernel: sparse-core-data-format-call.1.cloned.1.call-start
scs
called_computation.1_lowered:
.L_overlay_start_0:
0x0: {  	s2 =	sld [smem:$0x3FD9]  }
0x1: {  	s3 =	sld [smem:$0x3FFE];
	_ =	sdelay $0x1  }
0x2: {  	s1 =	srdreg.scid  }
0x3: {  	s0 =	sand.u32 $0x1, s1  }
0x4: {  	s19 =	sshll.u32 s0, $0xA;
	s2 =	sadd.s32 s3, s2  }
0x5: {  	s2 =	sadd.s32 s2, s19  }
0x6: {  	[smem:$0x3FC6] =	sst s2  }
0x7: {  	_ = 	snop  }
0x8: {  	s20 =	sld [smem:$0x3FC9]  }
0x9: {  	s4 =	sld [smem:$0x3FD0];
	(tm) =	ssettm $0x1  }
0xa: {  	s21 =	sld [smem:$0x3FFB];
	_ =	sdelay $0x3  }
0xb: {  	_ =	strace s21  }
0xc: {  	s2 =	sld [smem:$0x3FFC];
	_ =	sdelay $0x3  }
0xd: {  	_ =	strace s2  }
0xe: {  	s2 =	sld [smem:$0x3FFD];
	_ =	sdelay $0x3  }
0xf: {  	_ =	strace s2  }
0x10: {  	_ =	strace $0x8FFFFFFF  }
0x11: {  	s22 =	sld [smem:$0x3FDB];
	_ =	sdelay $0x1  }
0x12: {  	s5 =	simm.s32 $_scs_section_size  }
0x13: {  	s6 =	simm.s32 $_size__tile_overlayer_lowered;
	s7 =	simm.s32 $_tile_overlayer_lowered  }
0x14: {  	s8 =	simm.s32 $0x1BFF;
	s23 =	sshll.u32 s7, $0x1;
	s5 =	sadd.s32 s5, s22  }
0x15: {  	s24 =	simm.s32 $0x0;
	s6 =	sshll.u32 s6, $0x1;
	s7 =	sadd.s32 s23, s5  }
0x16: {  	[timem:s24], [sflag:s8] =	dma.local [hbm:s7], s6  }
0x17: {  	_ =	swait.ge [sflag:s8], s6  }
0x18: {  	s6 =	ssub.s32 $0x0, s6;
	[sflag:s8] =	ssyncset.done $0x0  }
0x19: {  	[sflag:s8] =	ssyncadd.s32 s6;
	_ =	sdelay $0x1  }
0x1a: {  	s25 =	simm.s32 $0x1B8B  }
0x1b: {  	_ =	swait.ge [sflag:s25], $0x1  }
0x1c: {  	[sflag:s25] =	ssyncset.done $0x0  }
0x1d: {  	[sflag:s25] =	ssyncadd.s32 $0xFFFFFFFF  }
0x1e: {  	s6 =	sld [smem:$0x0]  }
0x1f: {  	s7 =	sand.u32 $0xFFFFFFFE, s1  }
0x20: {  	p0 =	sne.s32 s1, s7  }
0x21: {  	s7 =	sshll.u32 @p0 s7, $0xE  }
0x22: {  	s7 =	sadd.s32 @p0 $0x11B8D, s7;
	s8 =	sshll.u32 @p0 s6, $0x11  }
0x23: {  	s7 =	sor.u32 @p0 s8, s7  }
0x24: {  	[sflag:s7] =	ssyncadd.remote.s32 @p0 $0x1;
	_ =	sdelay $0x1  }
0x25: {  	s7 =	simm.s32 @p0 $0x1B8D  }
0x26: {  	_ =	swait.eq @p0 [sflag:s7], $0x1  }
0x27: {  	[sflag:s7] =	ssyncadd.s32 @p0 $0xFFFFFFFF  }
0x28: {  	s8 =	sshll.u32 @!p0 s1, $0xE  }
0x29: {  	s8 =	sor.u32 @!p0 $0x4000, s8;
	s7 =	simm.s32 @!p0 $0x1B8D  }
0x2a: {  	s6 =	sshll.u32 @!p0 s6, $0x11;
	s8 =	sadd.s32 @!p0 $0x11B8D, s8;
	_ =	swait.eq @!p0 [sflag:s7], $0x1  }
0x2b: {  	s6 =	sor.u32 @!p0 s6, s8;
	[sflag:s7] =	ssyncadd.s32 @!p0 $0xFFFFFFFF  }
0x2c: {  	s26 =	simm.s32 $0x1B8E;
	[sflag:s6] =	ssyncadd.remote.s32 @!p0 $0x1  }
0x2d: {  	s27 =	simm.s32 $execute0_lowered;
	[smem:$0x3FD2] =	sst s26  }
0x2e: {  	s6 =	sshll.u32 s27, $0x1;
	_ =	strace $0x80000049;
	[dreg:$0x1] =	wrdreg $0xFFFFFFFF  }
0x2f: {  	s28 =	simm.s32 $_size_execute0_lowered;
	s5 =	sadd.s32 s5, s6;
	[dreg:$0x0] =	wrdreg $0x0  }
0x30: {  	s6 =	sshll.u32 s28, $0x1;
	[dreg:$0x2] =	wrdreg s5  }
0x31: {  	[dreg:$0x3] =	wrdreg s6  }
0x32: {  	[dreg:$0x4] =	wrdreg $0xC0  }
0x33: {  	_ =	task [dreg:s24], $0x5FFFF  }
0x34: {  	[dreg:$0x1] =	wrdreg $0xFFFFFFFF  }
0x35: {  	[dreg:$0x0] =	wrdreg $0x60  }
0x36: {  	[dreg:$0x2] =	wrdreg s20  }
0x37: {  	[dreg:$0x3] =	wrdreg s4  }
0x38: {  	[dreg:$0x4] =	wrdreg $0xA  }
0x39: {  	_ =	task.clear_ibuf [dreg:s24], $0x5FFFF;
	_ =	strace $0x90000049  }
0x3a: {  	s29 =	simm.s32 $0xA;
	_ =	strace $0x8000004B  }
0x3b: {  	_ =	swait.ge [sflag:s29], $0x1  }
0x3c: {  	[sflag:s29] =	ssyncadd.s32 $0xFFFFFFFF  }
0x3d: {  	_ =	strace $0x9000004B  }
0x3e: {  	_ =	sfence  }
0x3f: {  	s30 =	sld [smem:$0x0];
	_ =	sdelay $0x2  }
0x40: {  	s31 =	sshll.u32 s1, $0xD;
	s1 =	sshrl.u32 s1, $0x2  }
0x41: {  	s4 =	sand.u32 $0x4000, s31;
	s1 =	sadd.s32 s1, s30  }
0x42: {  	s0 =	sor.u32 s4, s0;
	s1 =	sshll.u32 s1, $0x11  }
0x43: {  	s0 =	sor.u32 s1, s0  }
0x44: {  	s0 =	sadd.s32 $0x8F2B, s0  }
0x45: {  	[sflag:s0] =	ssyncadd.remote.s32 $0x1  }
0x46: {  	_ =	sfence.sel $0xFFFF  }
0x47: {  	[dreg:$0x0] =	wrdreg $0xFFFFFFFF;
	(pc) =	sbr.abs _section_cstart, $3  }
0x48: {  	[dreg:$0x1] =	wrdreg $0xFFFFFFFF  }
0x49: {  	_ =	task.clear_ibuf [dreg:s24], $0x2FFFF;
	_ =	strace $0x9FFFFFFF  }
0x4a: {  	(tm) =	ssettm $0x7FFFFFFF  }
0x4b: {  	_ =	shalt  }
tec
execute0_lowered:
.L_overlay_start_1:
0x0: {  	(tag) =	ssettag $0x1  }
0x1: {  	s0 =	srdreg.scid  }
0x2: {  	s1 =	sshll.u32 s0, $0x4  }
0x3: {  	s2 =	rddreg [dreg:$0x0];
	s0 =	stileid.u32;
	s1 =	sand.u32 $0x10, s1  }
0x4: {  	s4 =	rddreg [dreg:$0x1];
	s1 =	sor.u32 s0, s1  }
0x5: {  	s7 =	simm.s32 $0x1;
	s8 =	simm.s32 $0x2;
	s3 =	sshll.u32 s1, $0x1  }
0x6: {  	s9 =	simm.s32 $0x0;
	s12 =	simm.s32 $0x0;
	s6 =	ssub.s32 $0x1000, s3  }
.Ltmp0:
0x7: {  	s11 =	simm.s32 $0x0;
	s5 =	sand.u32 $0x3E, s6;
	(pc) =	sbr.rel .LBB1_1-.Ltmp0, $4  }
0x8: {  	s1 =	rddreg [dreg:$0x2];
	_ =	strace $0x8000004A;
	p0 =	sne.s32 s5, $0x0  }
0x9: {  	s6 =	sshrl.u32 s6, $0x6;
	s5 =	simm.s32 $0x1;
	s7 =	simm.s32 @!p0 $0x0  }
0xa: {  	s10 =	smov.u32 s3;
	[sflag:s5] =	ssyncpa.u1 $0x0;
	s6 =	sadd.s32 s7, s6  }
0xb: {  	[sflag:s8] =	ssyncpa.u1 $0x0;
	s8 =	simm.s32 $0x0;
	s7 =	sadd.s32 $0x1, s6  }
.LBB1_9:
0xc: {  	s14 =	sadd.s32 $0x40, s10  }
0xd: {  	p1 =	sgt.s32 s14, $0xFFF  }
0xe: {  	s14 =	smov.u32 @p1 s3;
	p1 =	sne.s32 s11, s7  }
.Ltmp1:
0xf: {  	p0 =	slt.u32 s11, $0x2;
	(pc) =	sbr.rel @!p1 .LBB1_10-.Ltmp1, $4  }
0x10: {  	s13 =	simm.s32 @!p0 $0x2  }
0x11: {  	s15 =	sadd.s32 $0x1, s11;
	_ =	swait.ge @!p0 [sflag:s13], $0x4000  }
0x12: {  	s12 =	smov.u32 s10;
	s9 =	sadd.s32 $0x4000, s9;
	[sflag:s13] =	ssyncset.done @!p0 $0x0  }
0x13: {  	s11 =	smov.u32 s15;
	s10 =	smov.u32 s14;
	[sflag:s13] =	ssyncadd.s32 @!p0 $0xFFFFC000  }
.LBB1_1:
0x14: {  	p0 =	sge.u32 s11, s6  }
0x15: {  	s13 =	sxor.u32 @!p0 $0xFFFFFFFF, s11  }
0x16: {  	s31 =	sadd.s32 $0xFFFFFFFF, s11;
	s14 =	sshll.u32 @!p0 s10, $0xA;
	s13 =	sshll.u32 @!p0 s13, $0xE  }
0x17: {  	s15 =	simm.s32 @!p0 $0x0;
	s14 =	sadd.s32 @!p0 s2, s14;
	s13 =	sand.u32 @!p0 $0x4000, s13  }
0x18: {  	[tilespmem:s13], [sflag:$0x1] =	stream.linear.gather @!p0 [hbm4b:s14+s15], $0x4000, $0x38;
	[tilespmem:$0x10000] =	vst v63  }
0x19: {  	p0 =	sge.u32 s31, s6  }
.Ltmp2:
0x1a: {  	_ = 	snop;
	(pc) =	sbr.rel @p0 .LBB1_9-.Ltmp2, $1  }
0x1b: {  	_ =	sdelay $0x3  }
0x1c: {  	s13 =	sshll.u32 s9, $0x2  }
0x1d: {  	_ =	swait.ge [sflag:s5], $0x4000;
	s14 =	sshll.u32 s11, $0xE;
	s16 =	simm.s32 $0x0  }
0x1e: {  	p1 =	por $0x1, $0x1;
	s13 =	sand.u32 $0x10000, s13;
	[sflag:s5] =	ssyncset.done $0x0  }
0x1f: {  	s14 =	sand.u32 $0x4000, s14;
	s15 =	sshrl.u32 s13, $0x2;
	[sflag:s5] =	ssyncadd.s32 $0xFFFFC000  }
0x20: {  	s13 =	sor.u32 $0x8000, s14;
	s14 =	sadd.s32 $0x8040, s15;
	s15 =	sadd.s32 $0x40, s15  }
.LBB1_3:
0x21: {  	s16 =	sshll.u32 s16, $0x2  }
0x22: {  	p0 =	por p1, p1;
	s17 =	sshra.s32 s16, $0x2  }
0x23: {  	s18 =	simm.s32 $0x0;
	s16 =	sadd.s32 s17, s14;
	s17 =	sadd.s32 s17, s15  }
.LBB1_4:
0x24: {  	v0 =	vmov s17;
	_ =	sdelay $0x3  }
0x25: {  	s20 =	simm.s32 $0x0  }
0x26: {  	v6 =	vld.idx.msk [tilespmem:v0+s20+$0x30 ss:$0x1], $0xffff  }
0x27: {  	v7 =	vld.idx.msk [tilespmem:v0+s20+$0xFFFFFFC0 ss:$0x1], $0xffff  }
0x28: {  	v5 =	vld.idx.msk [tilespmem:v0+s20+$0xFFFFFFD0 ss:$0x1], $0xffff  }
0x29: {  	v4 =	vld.idx.msk [tilespmem:v0+s20+$0xFFFFFFE0 ss:$0x1], $0xffff  }
0x2a: {  	v3 =	vld.idx.msk [tilespmem:v0+s20+$0xFFFFFFF0 ss:$0x1], $0xffff  }
0x2b: {  	v1 =	vld.idx.msk [tilespmem:v0+s20+$0x0 ss:$0x1], $0xffff  }
0x2c: {  	v2 =	vld.idx.msk [tilespmem:v0+s20+$0x10 ss:$0x1], $0xffff;
	[tilespmem:s16+$0x30] =	vst v6  }
0x2d: {  	s19 =	simm.s32 $0x80;
	s21 =	simm.s32 $0x400;
	[tilespmem:s16+$0xFFFFFFC0] =	vst v7;
	v6 =	vld.idx.msk [tilespmem:v0+s20+$0x20 ss:$0x1], $0xffff;
	s20 =	smov.u32 s16  }
.LBB1_5:
0x2e: {  	p1 =	sne.s32 s21, $0xE00;
	v7 =	vld.idx.msk [tilespmem:v0+s19+$0x30 ss:$0x1], $0xffff;
	[tilespmem:s20+$0xFFFFFFD0] =	vst v5  }
0x2f: {  	v8 =	vld.idx.msk [tilespmem:v0+s19+$0xFFFFFFC0 ss:$0x1], $0xffff;
	[tilespmem:s20+$0xFFFFFFE0] =	vst v4  }
0x30: {  	v5 =	vld.idx.msk [tilespmem:v0+s19+$0xFFFFFFD0 ss:$0x1], $0xffff;
	[tilespmem:s20+$0xFFFFFFF0] =	vst v3  }
.Ltmp3:
0x31: {  	v4 =	vld.idx.msk [tilespmem:v0+s19+$0xFFFFFFE0 ss:$0x1], $0xffff;
	[tilespmem:s20+$0x0] =	vst v1;
	(pc) =	sbr.rel @p1 .LBB1_5-.Ltmp3, $4  }
0x32: {  	v3 =	vld.idx.msk [tilespmem:v0+s19+$0xFFFFFFF0 ss:$0x1], $0xffff;
	[tilespmem:s20+$0x10] =	vst v2  }
0x33: {  	v1 =	vld.idx.msk [tilespmem:v0+s19+$0x0 ss:$0x1], $0xffff;
	[tilespmem:s20+$0x20] =	vst v6;
	s20 =	sadd.s32 $0x400, s20  }
0x34: {  	v2 =	vld.idx.msk [tilespmem:v0+s19+$0x10 ss:$0x1], $0xffff;
	[tilespmem:s20+$0x30] =	vst v7  }
0x35: {  	[tilespmem:s20+$0xFFFFFFC0] =	vst v8;
	v6 =	vld.idx.msk [tilespmem:v0+s19+$0x20 ss:$0x1], $0xffff;
	s19 =	sshra.s32 s21, $0x2;
	s21 =	sadd.s32 $0x200, s21  }
0x36: {  	_ =	sdelay $0x2  }
0x37: {  	[tilespmem:s20+$0xFFFFFFD0] =	vst v5  }
0x38: {  	v56 =	vld.idx.msk [tilespmem:v0+s19+$0x30 ss:$0x1], $0xffff;
	[tilespmem:s20+$0xFFFFFFE0] =	vst v4  }
0x39: {  	v57 =	vld.idx.msk [tilespmem:v0+s19+$0xFFFFFFC0 ss:$0x1], $0xffff;
	[tilespmem:s20+$0xFFFFFFF0] =	vst v3  }
0x3a: {  	v58 =	vld.idx.msk [tilespmem:v0+s19+$0xFFFFFFD0 ss:$0x1], $0xffff;
	[tilespmem:s20+$0x0] =	vst v1  }
0x3b: {  	v59 =	vld.idx.msk [tilespmem:v0+s19+$0xFFFFFFE0 ss:$0x1], $0xffff;
	[tilespmem:s20+$0x10] =	vst v2  }
0x3c: {  	v60 =	vld.idx.msk [tilespmem:v0+s19+$0xFFFFFFF0 ss:$0x1], $0xffff;
	s31 =	sadd.s32 $0x400, s20;
	[tilespmem:s20+$0x20] =	vst v6  }
0x3d: {  	v61 =	vld.idx.msk [tilespmem:v0+s19+$0x0 ss:$0x1], $0xffff;
	[tilespmem:s31+$0x30] =	vst v56  }
0x3e: {  	v62 =	vld.idx.msk [tilespmem:v0+s19+$0x10 ss:$0x1], $0xffff;
	s18 =	sadd.s32 $0x1, s18;
	[tilespmem:s31+$0xFFFFFFC0] =	vst v57  }
0x3f: {  	v63 =	vld.idx.msk [tilespmem:v0+s19+$0x20 ss:$0x1], $0xffff;
	p1 =	sne.s32 s18, $0x8;
	[tilespmem:s31+$0xFFFFFFD0] =	vst v58  }
.Ltmp4:
0x40: {  	[tilespmem:s31+$0xFFFFFFE0] =	vst v59;
	(pc) =	sbr.rel @p1 .LBB1_4-.Ltmp4, $4  }
0x41: {  	[tilespmem:s31+$0xFFFFFFF0] =	vst v60  }
0x42: {  	[tilespmem:s31+$0x0] =	vst v61  }
0x43: {  	[tilespmem:s31+$0x10] =	vst v62  }
0x44: {  	s16 =	sadd.s32 $0x80, s16;
	s17 =	sadd.s32 $0x400, s17;
	[tilespmem:s31+$0x20] =	vst v63  }
.Ltmp5:
0x45: {  	(pc) =	sbr.rel @p0 .LBB1_3-.Ltmp5, $2  }
0x46: {  	_ =	sdelay $0x2  }
0x47: {  	s16 =	simm.s32 $0x2000;
	p1 =	por $0x0, $0x0  }
.Ltmp6:
0x48: {  	(pc) =	sbr.rel .LBB1_9-.Ltmp6, $4  }
0x49: {  	_ = 	snop  }
0x4a: {  	s12 =	sshll.u32 s12, $0xA  }
0x4b: {  	s12 =	sadd.s32 s4, s12  }
0x4c: {  	[hbm4b:s12+s8] =	stream.linear.scatter [tilespmem:s13], [sflag:$0x2], $0x4000, $0x38;
	[tilespmem:$0x10000] =	vst v63  }
.LBB1_10:
0x4d: {  	_ =	sfence.sel $0x180000  }
0x4e: {  	s2 =	simm.s32 $0x1;
	[bflag:$0x0] =	sbarrier.arrive $0xFFFF  }
0x4f: {  	s31 =	simm.s32 $0x2;
	[sflag:s2] =	ssyncpa.u1 $0x1  }
0x50: {  	[sflag:s31] =	ssyncpa.u1 $0x1  }
0x51: {  	p0 =	sne.s32 s0, $0x0;
	_ =	strace $0x9000004A  }
0x52: {  	s0 =	sadd.s32 @!p0 $0x100000, s1;
	[bflag:$0x2] =	sbarrier.arrive $0xFFFF  }
0x53: {  	[sflag:s0] =	ssyncadd.tile.s32 @!p0 $0x1;
	_ =	shalt  }
.Lfunc_end1:
_tile_overlayer_lowered:
.L_overlay_start_2:
0x54: {  	(tag) =	ssettag $0x2  }
0x55: {  	s0 =	rddreg [dreg:$0x0];
	s2 =	stileid.u32  }
0x56: {  	s1 =	rddreg [dreg:$0x1];
	p0 =	sne.s32 s2, $0x0  }
0x57: {  	s3 =	rddreg [dreg:$0x2];
	[bflag:$0x3] =	sbarrier.arrive $0xFFFF;
	s2 =	simm.s32 @!p0 $0x1C01  }
0x58: {  	[timem:s3], [sflag:s2] =	dma.local @!p0 [hbm:s0], s1  }
0x59: {  	s0 =	simm.s32 @!p0 $0x1  }
0x5a: {  	_ =	swait.ge @!p0 [sflag:s0], s1  }
0x5b: {  	s1 =	ssub.s32 @!p0 $0x0, s1;
	[sflag:s0] =	ssyncset.done @!p0 $0x0  }
0x5c: {  	[sflag:s0] =	ssyncadd.s32 @!p0 s1  }
0x5d: {  	[bflag:$0x3] =	sbarrier.arrive $0xFFFF  }
0x5e: {  	_ =	shalt  }

// kernel: sparse-core-data-format-call.cloned.1.call-start
scs
called_computation_lowered:
.L_overlay_start_0:
0x0: {  	s2 =	sld [smem:$0x3FD9]  }
0x1: {  	s3 =	sld [smem:$0x3FFE];
	_ =	sdelay $0x1  }
0x2: {  	s1 =	srdreg.scid  }
0x3: {  	s0 =	sand.u32 $0x1, s1  }
0x4: {  	s18 =	sshll.u32 s0, $0xA;
	s2 =	sadd.s32 s3, s2  }
0x5: {  	s2 =	sadd.s32 s2, s18  }
0x6: {  	[smem:$0x3FC6] =	sst s2  }
0x7: {  	_ = 	snop  }
0x8: {  	s2 =	sld [smem:$0x3FC8];
	(tm) =	ssettm $0x1  }
0x9: {  	s19 =	sld [smem:$0x3FFB];
	_ =	sdelay $0x3  }
0xa: {  	_ =	strace s19  }
0xb: {  	s3 =	sld [smem:$0x3FFC];
	_ =	sdelay $0x3  }
0xc: {  	_ =	strace s3  }
0xd: {  	s3 =	sld [smem:$0x3FFD];
	_ =	sdelay $0x3  }
0xe: {  	_ =	strace s3  }
0xf: {  	_ =	strace $0x8FFFFFFF  }
0x10: {  	s20 =	sld [smem:$0x3FDB];
	_ =	sdelay $0x1  }
0x11: {  	s4 =	simm.s32 $_scs_section_size  }
0x12: {  	s5 =	simm.s32 $_size__tile_overlayer_lowered;
	s6 =	simm.s32 $_tile_overlayer_lowered  }
0x13: {  	s23 =	simm.s32 $0x1BFF;
	s22 =	sshll.u32 s6, $0x1;
	s3 =	sadd.s32 s4, s20  }
0x14: {  	s7 =	simm.s32 $0x0;
	s21 =	sshll.u32 s5, $0x1;
	s5 =	sadd.s32 s22, s3  }
0x15: {  	[timem:s7], [sflag:s23] =	dma.local [hbm:s5], s21  }
0x16: {  	_ =	swait.ge [sflag:s23], s21  }
0x17: {  	s4 =	ssub.s32 $0x0, s21;
	[sflag:s23] =	ssyncset.done $0x0  }
0x18: {  	[sflag:s23] =	ssyncadd.s32 s4;
	_ =	sdelay $0x1  }
0x19: {  	s24 =	simm.s32 $0x1B8B  }
0x1a: {  	_ =	swait.ge [sflag:s24], $0x1  }
0x1b: {  	[sflag:s24] =	ssyncset.done $0x0  }
0x1c: {  	s26 =	simm.s32 $0x1B8E;
	s25 =	sld [smem:$0x3FFE];
	[sflag:s24] =	ssyncadd.s32 $0xFFFFFFFF  }
0x1d: {  	s27 =	simm.s32 $execute0_lowered;
	[smem:$0x3FD2] =	sst s26  }
0x1e: {  	s5 =	sshll.u32 s27, $0x1;
	_ =	strace $0x80000046;
	[dreg:$0x1] =	wrdreg $0xFFFFFFFF  }
0x1f: {  	s28 =	simm.s32 $_size_execute0_lowered;
	s3 =	sadd.s32 s3, s5;
	[dreg:$0x0] =	wrdreg $0x0  }
0x20: {  	s5 =	sshll.u32 s28, $0x1;
	[dreg:$0x2] =	wrdreg s3  }
0x21: {  	[dreg:$0x3] =	wrdreg s5  }
0x22: {  	[dreg:$0x4] =	wrdreg $0xC0  }
0x23: {  	_ =	task [dreg:s7], $0x5FFFF  }
0x24: {  	[dreg:$0x1] =	wrdreg $0xFFFFFFFF  }
0x25: {  	[dreg:$0x0] =	wrdreg $0x60  }
0x26: {  	[dreg:$0x2] =	wrdreg s2  }
0x27: {  	[dreg:$0x3] =	wrdreg s25  }
0x28: {  	[dreg:$0x4] =	wrdreg $0x9  }
0x29: {  	_ =	task.clear_ibuf [dreg:s7], $0x5FFFF;
	_ =	strace $0x90000046  }
0x2a: {  	s29 =	simm.s32 $0x9;
	_ =	strace $0x80000048  }
0x2b: {  	_ =	swait.ge [sflag:s29], $0x1  }
0x2c: {  	[sflag:s29] =	ssyncadd.s32 $0xFFFFFFFF  }
0x2d: {  	_ =	strace $0x90000048  }
0x2e: {  	_ =	sfence  }
0x2f: {  	s30 =	sld [smem:$0x0];
	_ =	sdelay $0x2  }
0x30: {  	s31 =	sshll.u32 s1, $0xD;
	s1 =	sshrl.u32 s1, $0x2  }
0x31: {  	s3 =	sand.u32 $0x4000, s31;
	s1 =	sadd.s32 s1, s30  }
0x32: {  	s0 =	sor.u32 s3, s0;
	s1 =	sshll.u32 s1, $0x11  }
0x33: {  	s0 =	sor.u32 s1, s0  }
0x34: {  	s0 =	sadd.s32 $0x8F2B, s0  }
0x35: {  	[sflag:s0] =	ssyncadd.remote.s32 $0x1  }
0x36: {  	_ =	sfence.sel $0xFFFF  }
0x37: {  	[dreg:$0x0] =	wrdreg $0xFFFFFFFF;
	(pc) =	sbr.abs _section_cstart, $3  }
0x38: {  	[dreg:$0x1] =	wrdreg $0xFFFFFFFF  }
0x39: {  	_ =	task.clear_ibuf [dreg:s7], $0x2FFFF;
	_ =	strace $0x9FFFFFFF  }
0x3a: {  	(tm) =	ssettm $0x7FFFFFFF  }
0x3b: {  	_ =	shalt  }
tec
execute0_lowered:
.L_overlay_start_1:
0x0: {  	(tag) =	ssettag $0x1  }
0x1: {  	s0 =	srdreg.scid  }
0x2: {  	s1 =	sshll.u32 s0, $0x4  }
0x3: {  	s2 =	rddreg [dreg:$0x0];
	s0 =	stileid.u32;
	s1 =	sand.u32 $0x10, s1  }
0x4: {  	s4 =	rddreg [dreg:$0x1];
	s7 =	simm.s32 $0x1;
	s1 =	sor.u32 s0, s1  }
0x5: {  	s8 =	simm.s32 $0x2;
	s9 =	simm.s32 $0x0;
	s3 =	sshll.u32 s1, $0x1  }
0x6: {  	s12 =	simm.s32 $0x0;
	s11 =	simm.s32 $0x0;
	s6 =	ssub.s32 $0x400, s3  }
.Ltmp0:
0x7: {  	s4 =	sadd.s32 $0xC00, s4;
	s5 =	sand.u32 $0x3E, s6;
	(pc) =	sbr.rel .LBB1_1-.Ltmp0, $4  }
0x8: {  	s1 =	rddreg [dreg:$0x2];
	_ =	strace $0x80000047;
	p0 =	sne.s32 s5, $0x0  }
0x9: {  	s6 =	sshrl.u32 s6, $0x6;
	s5 =	simm.s32 $0x1;
	s7 =	simm.s32 @!p0 $0x0  }
0xa: {  	s10 =	smov.u32 s3;
	[sflag:s5] =	ssyncpa.u1 $0x0;
	s6 =	sadd.s32 s7, s6  }
0xb: {  	[sflag:s8] =	ssyncpa.u1 $0x0;
	s8 =	simm.s32 $0x0;
	s7 =	sadd.s32 $0x1, s6  }
.LBB1_9:
0xc: {  	s14 =	sadd.s32 $0x40, s10  }
0xd: {  	p1 =	sgt.s32 s14, $0x3FF  }
0xe: {  	s14 =	smov.u32 @p1 s3;
	p1 =	sne.s32 s11, s7  }
.Ltmp1:
0xf: {  	p0 =	slt.u32 s11, $0x2;
	(pc) =	sbr.rel @!p1 .LBB1_10-.Ltmp1, $4  }
0x10: {  	s13 =	simm.s32 @!p0 $0x2  }
0x11: {  	s15 =	sadd.s32 $0x1, s11;
	_ =	swait.ge @!p0 [sflag:s13], $0x4000  }
0x12: {  	s12 =	smov.u32 s10;
	s9 =	sadd.s32 $0x4000, s9;
	[sflag:s13] =	ssyncset.done @!p0 $0x0  }
0x13: {  	s11 =	smov.u32 s15;
	s10 =	smov.u32 s14;
	[sflag:s13] =	ssyncadd.s32 @!p0 $0xFFFFC000  }
.LBB1_1:
0x14: {  	p0 =	sge.u32 s11, s6  }
0x15: {  	s13 =	sxor.u32 @!p0 $0xFFFFFFFF, s11  }
0x16: {  	s31 =	sadd.s32 $0xFFFFFFFF, s11;
	s14 =	sshll.u32 @!p0 s10, $0xA;
	s13 =	sshll.u32 @!p0 s13, $0xE  }
0x17: {  	s15 =	simm.s32 @!p0 $0x0;
	s14 =	sadd.s32 @!p0 s2, s14;
	s13 =	sand.u32 @!p0 $0x4000, s13  }
0x18: {  	[tilespmem:s13], [sflag:$0x1] =	stream.linear.gather @!p0 [hbm4b:s14+s15], $0x4000, $0x38;
	[tilespmem:$0x10000] =	vst v63  }
0x19: {  	p0 =	sge.u32 s31, s6  }
.Ltmp2:
0x1a: {  	_ = 	snop;
	(pc) =	sbr.rel @p0 .LBB1_9-.Ltmp2, $1  }
0x1b: {  	_ =	sdelay $0x3  }
0x1c: {  	s13 =	sshll.u32 s9, $0x2  }
0x1d: {  	_ =	swait.ge [sflag:s5], $0x4000;
	s14 =	sshll.u32 s11, $0xE;
	s16 =	simm.s32 $0x0  }
0x1e: {  	p1 =	por $0x1, $0x1;
	s13 =	sand.u32 $0x10000, s13;
	[sflag:s5] =	ssyncset.done $0x0  }
0x1f: {  	s14 =	sand.u32 $0x4000, s14;
	s15 =	sshrl.u32 s13, $0x2;
	[sflag:s5] =	ssyncadd.s32 $0xFFFFC000  }
0x20: {  	s13 =	sor.u32 $0x8000, s14;
	s14 =	sadd.s32 $0x8040, s15;
	s15 =	sadd.s32 $0x40, s15  }
.LBB1_3:
0x21: {  	s16 =	sshll.u32 s16, $0x2  }
0x22: {  	p0 =	por p1, p1;
	s17 =	sshra.s32 s16, $0x2  }
0x23: {  	s18 =	simm.s32 $0x0;
	s16 =	sadd.s32 s17, s14;
	s17 =	sadd.s32 s17, s15  }
.LBB1_4:
0x24: {  	v0 =	vmov s17;
	_ =	sdelay $0x3  }
0x25: {  	s20 =	simm.s32 $0x0  }
0x26: {  	v6 =	vld.idx.msk [tilespmem:v0+s20+$0x30 ss:$0x1], $0xffff  }
0x27: {  	v7 =	vld.idx.msk [tilespmem:v0+s20+$0xFFFFFFC0 ss:$0x1], $0xffff  }
0x28: {  	v5 =	vld.idx.msk [tilespmem:v0+s20+$0xFFFFFFD0 ss:$0x1], $0xffff  }
0x29: {  	v4 =	vld.idx.msk [tilespmem:v0+s20+$0xFFFFFFE0 ss:$0x1], $0xffff  }
0x2a: {  	v3 =	vld.idx.msk [tilespmem:v0+s20+$0xFFFFFFF0 ss:$0x1], $0xffff  }
0x2b: {  	v1 =	vld.idx.msk [tilespmem:v0+s20+$0x0 ss:$0x1], $0xffff  }
0x2c: {  	v2 =	vld.idx.msk [tilespmem:v0+s20+$0x10 ss:$0x1], $0xffff;
	[tilespmem:s16+$0x30] =	vst v6  }
0x2d: {  	s19 =	simm.s32 $0x80;
	s21 =	simm.s32 $0x400;
	[tilespmem:s16+$0xFFFFFFC0] =	vst v7;
	v6 =	vld.idx.msk [tilespmem:v0+s20+$0x20 ss:$0x1], $0xffff;
	s20 =	smov.u32 s16  }
.LBB1_5:
0x2e: {  	p1 =	sne.s32 s21, $0xE00;
	v7 =	vld.idx.msk [tilespmem:v0+s19+$0x30 ss:$0x1], $0xffff;
	[tilespmem:s20+$0xFFFFFFD0] =	vst v5  }
0x2f: {  	v8 =	vld.idx.msk [tilespmem:v0+s19+$0xFFFFFFC0 ss:$0x1], $0xffff;
	[tilespmem:s20+$0xFFFFFFE0] =	vst v4  }
0x30: {  	v5 =	vld.idx.msk [tilespmem:v0+s19+$0xFFFFFFD0 ss:$0x1], $0xffff;
	[tilespmem:s20+$0xFFFFFFF0] =	vst v3  }
.Ltmp3:
0x31: {  	v4 =	vld.idx.msk [tilespmem:v0+s19+$0xFFFFFFE0 ss:$0x1], $0xffff;
	[tilespmem:s20+$0x0] =	vst v1;
	(pc) =	sbr.rel @p1 .LBB1_5-.Ltmp3, $4  }
0x32: {  	v3 =	vld.idx.msk [tilespmem:v0+s19+$0xFFFFFFF0 ss:$0x1], $0xffff;
	[tilespmem:s20+$0x10] =	vst v2  }
0x33: {  	v1 =	vld.idx.msk [tilespmem:v0+s19+$0x0 ss:$0x1], $0xffff;
	[tilespmem:s20+$0x20] =	vst v6;
	s20 =	sadd.s32 $0x400, s20  }
0x34: {  	v2 =	vld.idx.msk [tilespmem:v0+s19+$0x10 ss:$0x1], $0xffff;
	[tilespmem:s20+$0x30] =	vst v7  }
0x35: {  	[tilespmem:s20+$0xFFFFFFC0] =	vst v8;
	v6 =	vld.idx.msk [tilespmem:v0+s19+$0x20 ss:$0x1], $0xffff;
	s19 =	sshra.s32 s21, $0x2;
	s21 =	sadd.s32 $0x200, s21  }
0x36: {  	_ =	sdelay $0x2  }
0x37: {  	[tilespmem:s20+$0xFFFFFFD0] =	vst v5  }
0x38: {  	v56 =	vld.idx.msk [tilespmem:v0+s19+$0x30 ss:$0x1], $0xffff;
	[tilespmem:s20+$0xFFFFFFE0] =	vst v4  }
0x39: {  	v57 =	vld.idx.msk [tilespmem:v0+s19+$0xFFFFFFC0 ss:$0x1], $0xffff;
	[tilespmem:s20+$0xFFFFFFF0] =	vst v3  }
0x3a: {  	v58 =	vld.idx.msk [tilespmem:v0+s19+$0xFFFFFFD0 ss:$0x1], $0xffff;
	[tilespmem:s20+$0x0] =	vst v1  }
0x3b: {  	v59 =	vld.idx.msk [tilespmem:v0+s19+$0xFFFFFFE0 ss:$0x1], $0xffff;
	[tilespmem:s20+$0x10] =	vst v2  }
0x3c: {  	v60 =	vld.idx.msk [tilespmem:v0+s19+$0xFFFFFFF0 ss:$0x1], $0xffff;
	s31 =	sadd.s32 $0x400, s20;
	[tilespmem:s20+$0x20] =	vst v6  }
0x3d: {  	v61 =	vld.idx.msk [tilespmem:v0+s19+$0x0 ss:$0x1], $0xffff;
	[tilespmem:s31+$0x30] =	vst v56  }
0x3e: {  	v62 =	vld.idx.msk [tilespmem:v0+s19+$0x10 ss:$0x1], $0xffff;
	s18 =	sadd.s32 $0x1, s18;
	[tilespmem:s31+$0xFFFFFFC0] =	vst v57  }
0x3f: {  	v63 =	vld.idx.msk [tilespmem:v0+s19+$0x20 ss:$0x1], $0xffff;
	p1 =	sne.s32 s18, $0x8;
	[tilespmem:s31+$0xFFFFFFD0] =	vst v58  }
.Ltmp4:
0x40: {  	[tilespmem:s31+$0xFFFFFFE0] =	vst v59;
	(pc) =	sbr.rel @p1 .LBB1_4-.Ltmp4, $4  }
0x41: {  	[tilespmem:s31+$0xFFFFFFF0] =	vst v60  }
0x42: {  	[tilespmem:s31+$0x0] =	vst v61  }
0x43: {  	[tilespmem:s31+$0x10] =	vst v62  }
0x44: {  	s16 =	sadd.s32 $0x80, s16;
	s17 =	sadd.s32 $0x400, s17;
	[tilespmem:s31+$0x20] =	vst v63  }
.Ltmp5:
0x45: {  	(pc) =	sbr.rel @p0 .LBB1_3-.Ltmp5, $2  }
0x46: {  	_ =	sdelay $0x2  }
0x47: {  	s16 =	simm.s32 $0x2000;
	p1 =	por $0x0, $0x0  }
.Ltmp6:
0x48: {  	(pc) =	sbr.rel .LBB1_9-.Ltmp6, $4  }
0x49: {  	_ = 	snop  }
0x4a: {  	s12 =	sshll.u32 s12, $0xA  }
0x4b: {  	s12 =	sadd.s32 s4, s12  }
0x4c: {  	[hbm4b:s12+s8] =	stream.linear.scatter [tilespmem:s13], [sflag:$0x2], $0x4000, $0x38;
	[tilespmem:$0x10000] =	vst v63  }
.LBB1_10:
0x4d: {  	_ =	sfence.sel $0x180000  }
0x4e: {  	s2 =	simm.s32 $0x1;
	[bflag:$0x0] =	sbarrier.arrive $0xFFFF  }
0x4f: {  	s31 =	simm.s32 $0x2;
	[sflag:s2] =	ssyncpa.u1 $0x1  }
0x50: {  	[sflag:s31] =	ssyncpa.u1 $0x1  }
0x51: {  	p0 =	sne.s32 s0, $0x0;
	_ =	strace $0x90000047  }
0x52: {  	s0 =	sadd.s32 @!p0 $0x100000, s1;
	[bflag:$0x2] =	sbarrier.arrive $0xFFFF  }
0x53: {  	[sflag:s0] =	ssyncadd.tile.s32 @!p0 $0x1;
	_ =	shalt  }
.Lfunc_end1:
_tile_overlayer_lowered:
.L_overlay_start_2:
0x54: {  	(tag) =	ssettag $0x2  }
0x55: {  	s0 =	rddreg [dreg:$0x0];
	s2 =	stileid.u32  }
0x56: {  	s1 =	rddreg [dreg:$0x1];
	p0 =	sne.s32 s2, $0x0  }
0x57: {  	s3 =	rddreg [dreg:$0x2];
	[bflag:$0x3] =	sbarrier.arrive $0xFFFF;
	s2 =	simm.s32 @!p0 $0x1C01  }
0x58: {  	[timem:s3], [sflag:s2] =	dma.local @!p0 [hbm:s0], s1  }
0x59: {  	s0 =	simm.s32 @!p0 $0x1  }
0x5a: {  	_ =	swait.ge @!p0 [sflag:s0], s1  }
0x5b: {  	s1 =	ssub.s32 @!p0 $0x0, s1;
	[sflag:s0] =	ssyncset.done @!p0 $0x0  }
0x5c: {  	[sflag:s0] =	ssyncadd.s32 @!p0 s1  }
0x5d: {  	[bflag:$0x3] =	sbarrier.arrive $0xFFFF  }
0x5e: {  	_ =	shalt  }

</sc_bundles>
